<compile_context>
chip_gen: v7x
topology: tpu7x:2x2x1
jax: 0.10.2.dev20260603
libtpu: 0.0.44.dev20260713+nightly
codegen_flags: <defaults>
</compile_context>

<pallas_src>
import jax
import jax.numpy as jnp
from jax.experimental import pallas as pl
from jax.experimental.pallas import tpu as pltpu

_N = 20000
_NUM_CLASSES = 80
_IOU_T = 0.7
_SCORE_T = 0.2
_B = 512
_NPAD = 20480
_NT = _NPAD // _B


def _nms_body(jt, x1, y1, x2, y2, s, x1t, y1t, x2t, y2t, keep_ref, a_ref):
    a_ref[...] = (x2[...] - x1[...]) * (y2[...] - y1[...])
    keep_ref[...] = jnp.where(s[...] >= _SCORE_T, 1.0, 0.0)

    lane = jax.lax.broadcasted_iota(jnp.int32, (1, _NT), 1)
    row = jax.lax.broadcasted_iota(jnp.int32, (_B, _B), 0)
    col = jax.lax.broadcasted_iota(jnp.int32, (_B, _B), 1)
    upper = row < col

    def _outer(i, carry):
        oh = jnp.where(lane == i, 1.0, 0.0)
        xi1 = jnp.sum(x1t[...] * oh, axis=1, keepdims=True)
        yi1 = jnp.sum(y1t[...] * oh, axis=1, keepdims=True)
        xi2 = jnp.sum(x2t[...] * oh, axis=1, keepdims=True)
        yi2 = jnp.sum(y2t[...] * oh, axis=1, keepdims=True)
        ai = (xi2 - xi1) * (yi2 - yi1)

        def _hits(j):
            xj1 = x1[pl.ds(j, 1), :]
            yj1 = y1[pl.ds(j, 1), :]
            xj2 = x2[pl.ds(j, 1), :]
            yj2 = y2[pl.ds(j, 1), :]
            aj = a_ref[pl.ds(j, 1), :]
            xx1 = jnp.maximum(xi1, xj1)
            yy1 = jnp.maximum(yi1, yj1)
            xx2 = jnp.minimum(xi2, xj2)
            yy2 = jnp.minimum(yi2, yj2)
            inter = jnp.maximum(xx2 - xx1, 0.0) * jnp.maximum(yy2 - yy1, 0.0)
            iou = inter / (ai + aj - inter + 1e-9)
            return iou > _IOU_T

        m_self = jnp.where(_hits(i) & upper, 1.0, 0.0)
        alive0 = keep_ref[pl.ds(i, 1), :]

        def _wcond(c):
            return c[1]

        def _wbody(c):
            kept, _ = c
            sup = jax.lax.dot_general(
                kept, m_self, (((1,), (0,)), ((), ())),
                preferred_element_type=jnp.float32)
            new = jnp.where(sup > 0.5, 0.0, alive0)
            return new, jnp.any(new != kept)

        kept, _ = jax.lax.while_loop(_wcond, _wbody, (alive0, True))
        keep_ref[pl.ds(i, 1), :] = kept

        def _inner(j, c):
            hits = jnp.where(_hits(j), 1.0, 0.0)
            dead = jax.lax.dot_general(
                kept, hits, (((1,), (0,)), ((), ())),
                preferred_element_type=jnp.float32)
            kj = keep_ref[pl.ds(j, 1), :]
            keep_ref[pl.ds(j, 1), :] = jnp.where(dead > 0.5, 0.0, kj)
            return c

        jax.lax.fori_loop(i + 1, jt[i], _inner, 0)
        return carry

    jax.lax.fori_loop(0, _NT, _outer, 0)


def _nms_keep_mask(bp, sp, jt_end):
    x1 = bp[:, 0].reshape(_NT, _B)
    y1 = bp[:, 1].reshape(_NT, _B)
    x2 = bp[:, 2].reshape(_NT, _B)
    y2 = bp[:, 3].reshape(_NT, _B)
    s2 = sp.reshape(_NT, _B)
    x1t = x1.T
    y1t = y1.T
    x2t = x2.T
    y2t = y2.T

    vmem = pl.BlockSpec(memory_space=pltpu.VMEM)
    smem = pl.BlockSpec(memory_space=pltpu.SMEM)
    keep = pl.pallas_call(
        _nms_body,
        in_specs=[smem] + [vmem] * 9,
        out_specs=vmem,
        out_shape=jax.ShapeDtypeStruct((_NT, _B), jnp.float32),
        scratch_shapes=[pltpu.VMEM((_NT, _B), jnp.float32)],
    )(jt_end, x1, y1, x2, y2, s2, x1t, y1t, x2t, y2t)
    return keep.reshape(_NPAD)[:_N]


@jax.jit
def kernel(boxes, scores, labels):
    max_coord = boxes.max()
    offsets = labels.astype(boxes.dtype) * (max_coord + 1.0)
    b_all = boxes + offsets[:, None]
    idx = jnp.arange(_N, dtype=jnp.int32)
    ls, _, order = jax.lax.sort((labels, -scores, idx), num_keys=2,
                                is_stable=True)
    b = b_all[order]
    s = scores[order]
    counts = jnp.bincount(labels, length=_NUM_CLASSES)
    ends = jnp.cumsum(counts).astype(jnp.int32)
    seg_end = ends[ls]
    pad = _NPAD - _N
    seg_end = jnp.pad(seg_end, ((0, pad),))
    jt_end = (seg_end.reshape(_NT, _B).max(axis=1) + _B - 1) // _B
    bp = jnp.pad(b, ((0, pad), (0, 0)))
    sp = jnp.pad(s, ((0, pad),), constant_values=-1.0)
    keep_sorted = _nms_keep_mask(bp, sp, jt_end)
    m = jnp.zeros((_N,), jnp.float32).at[order].set(keep_sorted)
    out = jnp.concatenate([boxes * m[:, None], (scores * m)[:, None]], axis=1)
    return out

# --- scband reference (transcript-rebuilt; emitter-appended) ---
"""Pipeline reference for scband-generic-hoidetector-81690277970032 (READ-ONLY COPY).

The authoritative reference and input builder live on the scoring server;
editing this copy changes nothing except your own understanding.
"""

import jax, jax.numpy as jnp
import numpy as np

N = 20000
NUM_CLASSES = 80
IOU_THRESH = 0.7
SCORE_THRESH = 0.2


def setup_inputs(seed: int = 0) -> dict:
    key = jax.random.key(seed)
    k1, k2, k3, k4 = jax.random.split(key, 4)
    xy = jax.random.uniform(k1, (N, 2), dtype=jnp.float32) * 900.0
    wh = jax.random.uniform(k2, (N, 2), dtype=jnp.float32) * 120.0 + 4.0
    boxes = jnp.concatenate([xy, xy + wh], axis=1)
    scores = jax.random.uniform(k3, (N,), dtype=jnp.float32)
    labels = jax.random.randint(k4, (N,), 0, NUM_CLASSES).astype(jnp.int32)
    return {"boxes": boxes, "scores": scores, "labels": labels}


@jax.jit
def _nms_keep(boxes, scores, labels):
    # NMS indices are non-differentiable; compute keep mask on detached values
    boxes = jax.lax.stop_gradient(boxes)
    scores = jax.lax.stop_gradient(scores)
    # class-aware batched NMS via per-class coordinate offset (torchvision batched_nms trick)
    max_coord = boxes.max()
    offsets = labels.astype(boxes.dtype) * (max_coord + 1.0)
    b_all = boxes + offsets[:, None]
    order = jnp.argsort(-scores)
    b = b_all[order]
    s = scores[order]
    area = (b[:, 2] - b[:, 0]) * (b[:, 3] - b[:, 1])
    idx = jnp.arange(N)
    # score-threshold filter as in prepare_region_proposals
    keep0 = s >= SCORE_THRESH

    def body(i, keep):
        box_i = b[i]
        xx1 = jnp.maximum(box_i[0], b[:, 0])
        yy1 = jnp.maximum(box_i[1], b[:, 1])
        xx2 = jnp.minimum(box_i[2], b[:, 2])
        yy2 = jnp.minimum(box_i[3], b[:, 3])
        inter = jnp.clip(xx2 - xx1, 0.0, None) * jnp.clip(yy2 - yy1, 0.0, None)
        iou = inter / (area[i] + area - inter + 1e-9)
        suppress = (iou > IOU_THRESH) & (idx > i) & keep[i]
        return keep & (~suppress)

    keep = jax.lax.fori_loop(0, N, body, keep0)
    keep_orig = jnp.zeros((N,), dtype=bool).at[order].set(keep)
    return keep_orig


def _forward(boxes, scores, labels):
    keep = _nms_keep(boxes, scores, labels)
    m = keep.astype(boxes.dtype)
    # fixed-shape output: suppressed rows zeroed; [N, 5] = kept boxes + kept scores
    out = jnp.concatenate([boxes * m[:, None], (scores * m)[:, None]], axis=1)
    return out


def reference(boxes, scores, labels):
    return _forward(boxes, scores, labels)

if __name__ == "__main__":
    import jax
    _d = setup_inputs()
    print(jax.jit(kernel)(*tuple(_d.values())))

</pallas_src>

<mosaic_0001>
module attributes {stable_mosaic.version = 14 : i64} {
  func.func @_nms_body(%arg0: memref<40xi32, #tpu.memory_space<smem>>, %arg1: memref<40x512xf32, #tpu.memory_space<vmem>>, %arg2: memref<40x512xf32, #tpu.memory_space<vmem>>, %arg3: memref<40x512xf32, #tpu.memory_space<vmem>>, %arg4: memref<40x512xf32, #tpu.memory_space<vmem>>, %arg5: memref<40x512xf32, #tpu.memory_space<vmem>>, %arg6: memref<512x40xf32, #tpu.memory_space<vmem>>, %arg7: memref<512x40xf32, #tpu.memory_space<vmem>>, %arg8: memref<512x40xf32, #tpu.memory_space<vmem>>, %arg9: memref<512x40xf32, #tpu.memory_space<vmem>>, %arg10: memref<40x512xf32, #tpu.memory_space<vmem>>, %arg11: memref<40x512xf32, #tpu.memory_space<vmem>>) attributes {dimension_semantics = [], scalar_prefetch = 0 : i64, scratch_operands = 1 : i64, tpu.core_type = #tpu.core_type<tc>} {
    %get3A = arith.constant 0 : index
    %get3A_0 = arith.constant 0 : index
    %get3A_1 = vector.load %arg3[%get3A, %get3A_0] : memref<40x512xf32, #tpu.memory_space<vmem>>, vector<40x512xf32>
    %get3A_2 = arith.constant 0 : index
    %get3A_3 = arith.constant 0 : index
    %get3A_4 = vector.load %arg1[%get3A_2, %get3A_3] : memref<40x512xf32, #tpu.memory_space<vmem>>, vector<40x512xf32>
    %sub3A = arith.subf %get3A_1, %get3A_4 : vector<40x512xf32>
    %get3A_5 = arith.constant 0 : index
    %get3A_6 = arith.constant 0 : index
    %get3A_7 = vector.load %arg4[%get3A_5, %get3A_6] : memref<40x512xf32, #tpu.memory_space<vmem>>, vector<40x512xf32>
    %get3A_8 = arith.constant 0 : index
    %get3A_9 = arith.constant 0 : index
    %get3A_10 = vector.load %arg2[%get3A_8, %get3A_9] : memref<40x512xf32, #tpu.memory_space<vmem>>, vector<40x512xf32>
    %sub3A_11 = arith.subf %get3A_7, %get3A_10 : vector<40x512xf32>
    %mul3A = arith.mulf %sub3A, %sub3A_11 : vector<40x512xf32>
    %swap3A = arith.constant 0 : index
    %swap3A_12 = arith.constant 0 : index
    %swap3A_13 = vector.load %arg11[%swap3A, %swap3A_12] : memref<40x512xf32, #tpu.memory_space<vmem>>, vector<40x512xf32>
    tpu.vector_store %arg11[%swap3A, %swap3A_12], %mul3A {strides = array<i32>} : memref<40x512xf32, #tpu.memory_space<vmem>>, vector<40x512xf32>,
    %get3A_14 = arith.constant 0 : index
    %get3A_15 = arith.constant 0 : index
    %get3A_16 = vector.load %arg5[%get3A_14, %get3A_15] : memref<40x512xf32, #tpu.memory_space<vmem>>, vector<40x512xf32>
    %ge3A = arith.constant 2.000000e-01 : f32
    %ge3A_17 = vector.broadcast %ge3A : f32 to vector<40x512xf32>
    %ge3A_18 = arith.cmpf oge, %get3A_16, %ge3A_17 : vector<40x512xf32>
    %jit3A = arith.constant 1.000000e+00 : f32
    %jit3A_19 = arith.constant 0.000000e+00 : f32
    %broadcast_in_dim3A = vector.broadcast %jit3A : f32 to vector<40x512xf32>
    %broadcast_in_dim3A_20 = vector.broadcast %jit3A_19 : f32 to vector<40x512xf32>
    %select_n3A = arith.select %ge3A_18, %broadcast_in_dim3A, %broadcast_in_dim3A_20 : vector<40x512xi1>, vector<40x512xf32>
    %swap3A_21 = arith.constant 0 : index
    %swap3A_22 = arith.constant 0 : index
    %swap3A_23 = vector.load %arg10[%swap3A_21, %swap3A_22] : memref<40x512xf32, #tpu.memory_space<vmem>>, vector<40x512xf32>
    tpu.vector_store %arg10[%swap3A_21, %swap3A_22], %select_n3A {strides = array<i32>} : memref<40x512xf32, #tpu.memory_space<vmem>>, vector<40x512xf32>,
    %iota3A = tpu.iota {dimensions = array<i32: 1>} : vector<1x40xi32>
    %iota3A_24 = tpu.iota {dimensions = array<i32: 0>} : vector<512x512xi32>
    %iota3A_25 = tpu.iota {dimensions = array<i32: 1>} : vector<512x512xi32>
    %lt3A = arith.cmpi slt, %iota3A_24, %iota3A_25 : vector<512x512xi32>
    %scan3A = arith.constant 0 : i32
    %scan3A_26 = arith.constant 40 : i32
    %scan3A_27 = arith.addi %scan3A, %scan3A_26 : i32
    %scan3A_28 = arith.constant 1 : i32
    scf.for %scan3A_30 = %scan3A to %scan3A_27 step %scan3A_28  : i32 {
      %eq3A = vector.broadcast %scan3A_30 : i32 to vector<1x40xi32>
      %eq3A_31 = arith.cmpi eq, %iota3A, %eq3A : vector<1x40xi32>
      %jit3A_32 = arith.constant 1.000000e+00 : f32
      %jit3A_33 = arith.constant 0.000000e+00 : f32
      %broadcast_in_dim3A_34 = vector.broadcast %jit3A_32 : f32 to vector<1x40xf32>
      %broadcast_in_dim3A_35 = vector.broadcast %jit3A_33 : f32 to vector<1x40xf32>
      %select_n3A_36 = arith.select %eq3A_31, %broadcast_in_dim3A_34, %broadcast_in_dim3A_35 : vector<1x40xi1>, vector<1x40xf32>
      %get3A_37 = arith.constant 0 : index
      %get3A_38 = arith.constant 0 : index
      %get3A_39 = vector.load %arg6[%get3A_37, %get3A_38] : memref<512x40xf32, #tpu.memory_space<vmem>>, vector<512x40xf32>
      %mul3A_40 = vector.broadcast %select_n3A_36 : vector<1x40xf32> to vector<512x40xf32>
      %mul3A_41 = arith.mulf %get3A_39, %mul3A_40 : vector<512x40xf32>
      %reduce_sum3A = arith.constant dense<0.000000e+00> : vector<512xf32>
      %reduce_sum3A_42 = vector.multi_reduction <add>, %mul3A_41, %reduce_sum3A [1] : vector<512x40xf32> to vector<512xf32>
      %broadcast_in_dim3A_43 = vector.shape_cast %reduce_sum3A_42 : vector<512xf32> to vector<512x1xf32>
      %get3A_44 = arith.constant 0 : index
      %get3A_45 = arith.constant 0 : index
      %get3A_46 = vector.load %arg7[%get3A_44, %get3A_45] : memref<512x40xf32, #tpu.memory_space<vmem>>, vector<512x40xf32>
      %mul3A_47 = vector.broadcast %select_n3A_36 : vector<1x40xf32> to vector<512x40xf32>
      %mul3A_48 = arith.mulf %get3A_46, %mul3A_47 : vector<512x40xf32>
      %reduce_sum3A_49 = arith.constant dense<0.000000e+00> : vector<512xf32>
      %reduce_sum3A_50 = vector.multi_reduction <add>, %mul3A_48, %reduce_sum3A_49 [1] : vector<512x40xf32> to vector<512xf32>
      %broadcast_in_dim3A_51 = vector.shape_cast %reduce_sum3A_50 : vector<512xf32> to vector<512x1xf32>
      %get3A_52 = arith.constant 0 : index
      %get3A_53 = arith.constant 0 : index
      %get3A_54 = vector.load %arg8[%get3A_52, %get3A_53] : memref<512x40xf32, #tpu.memory_space<vmem>>, vector<512x40xf32>
      %mul3A_55 = vector.broadcast %select_n3A_36 : vector<1x40xf32> to vector<512x40xf32>
      %mul3A_56 = arith.mulf %get3A_54, %mul3A_55 : vector<512x40xf32>
      %reduce_sum3A_57 = arith.constant dense<0.000000e+00> : vector<512xf32>
      %reduce_sum3A_58 = vector.multi_reduction <add>, %mul3A_56, %reduce_sum3A_57 [1] : vector<512x40xf32> to vector<512xf32>
      %broadcast_in_dim3A_59 = vector.shape_cast %reduce_sum3A_58 : vector<512xf32> to vector<512x1xf32>
      %get3A_60 = arith.constant 0 : index
      %get3A_61 = arith.constant 0 : index
      %get3A_62 = vector.load %arg9[%get3A_60, %get3A_61] : memref<512x40xf32, #tpu.memory_space<vmem>>, vector<512x40xf32>
      %mul3A_63 = vector.broadcast %select_n3A_36 : vector<1x40xf32> to vector<512x40xf32>
      %mul3A_64 = arith.mulf %get3A_62, %mul3A_63 : vector<512x40xf32>
      %reduce_sum3A_65 = arith.constant dense<0.000000e+00> : vector<512xf32>
      %reduce_sum3A_66 = vector.multi_reduction <add>, %mul3A_64, %reduce_sum3A_65 [1] : vector<512x40xf32> to vector<512xf32>
      %broadcast_in_dim3A_67 = vector.shape_cast %reduce_sum3A_66 : vector<512xf32> to vector<512x1xf32>
      %sub3A_68 = arith.subf %broadcast_in_dim3A_59, %broadcast_in_dim3A_43 : vector<512x1xf32>
      %sub3A_69 = arith.subf %broadcast_in_dim3A_67, %broadcast_in_dim3A_51 : vector<512x1xf32>
      %mul3A_70 = arith.mulf %sub3A_68, %sub3A_69 : vector<512x1xf32>
      %get3A_71 = arith.index_cast %scan3A_30 : i32 to index
      %get3A_72 = arith.constant 0 : index
      %get3A_73 = vector.load %arg1[%get3A_71, %get3A_72] : memref<40x512xf32, #tpu.memory_space<vmem>>, vector<1x512xf32>
      %get3A_74 = arith.index_cast %scan3A_30 : i32 to index
      %get3A_75 = arith.constant 0 : index
      %get3A_76 = vector.load %arg2[%get3A_74, %get3A_75] : memref<40x512xf32, #tpu.memory_space<vmem>>, vector<1x512xf32>
      %get3A_77 = arith.index_cast %scan3A_30 : i32 to index
      %get3A_78 = arith.constant 0 : index
      %get3A_79 = vector.load %arg3[%get3A_77, %get3A_78] : memref<40x512xf32, #tpu.memory_space<vmem>>, vector<1x512xf32>
      %get3A_80 = arith.index_cast %scan3A_30 : i32 to index
      %get3A_81 = arith.constant 0 : index
      %get3A_82 = vector.load %arg4[%get3A_80, %get3A_81] : memref<40x512xf32, #tpu.memory_space<vmem>>, vector<1x512xf32>
      %get3A_83 = arith.index_cast %scan3A_30 : i32 to index
      %get3A_84 = arith.constant 0 : index
      %get3A_85 = vector.load %arg11[%get3A_83, %get3A_84] : memref<40x512xf32, #tpu.memory_space<vmem>>, vector<1x512xf32>
      %max3A = vector.broadcast %broadcast_in_dim3A_43 : vector<512x1xf32> to vector<512x512xf32>
      %max3A_86 = vector.broadcast %get3A_73 : vector<1x512xf32> to vector<512x512xf32>
      %max3A_87 = arith.maximumf %max3A, %max3A_86 : vector<512x512xf32>
      %max3A_88 = vector.broadcast %broadcast_in_dim3A_51 : vector<512x1xf32> to vector<512x512xf32>
      %max3A_89 = vector.broadcast %get3A_76 : vector<1x512xf32> to vector<512x512xf32>
      %max3A_90 = arith.maximumf %max3A_88, %max3A_89 : vector<512x512xf32>
      %min3A = vector.broadcast %broadcast_in_dim3A_59 : vector<512x1xf32> to vector<512x512xf32>
      %min3A_91 = vector.broadcast %get3A_79 : vector<1x512xf32> to vector<512x512xf32>
      %min3A_92 = arith.minimumf %min3A, %min3A_91 : vector<512x512xf32>
      %min3A_93 = vector.broadcast %broadcast_in_dim3A_67 : vector<512x1xf32> to vector<512x512xf32>
      %min3A_94 = vector.broadcast %get3A_82 : vector<1x512xf32> to vector<512x512xf32>
      %min3A_95 = arith.minimumf %min3A_93, %min3A_94 : vector<512x512xf32>
      %sub3A_96 = arith.subf %min3A_92, %max3A_87 : vector<512x512xf32>
      %max3A_97 = arith.constant 0.000000e+00 : f32
      %max3A_98 = vector.broadcast %max3A_97 : f32 to vector<512x512xf32>
      %max3A_99 = arith.maximumf %sub3A_96, %max3A_98 : vector<512x512xf32>
      %sub3A_100 = arith.subf %min3A_95, %max3A_90 : vector<512x512xf32>
      %max3A_101 = arith.constant 0.000000e+00 : f32
      %max3A_102 = vector.broadcast %max3A_101 : f32 to vector<512x512xf32>
      %max3A_103 = arith.maximumf %sub3A_100, %max3A_102 : vector<512x512xf32>
      %mul3A_104 = arith.mulf %max3A_99, %max3A_103 : vector<512x512xf32>
      %add3A = vector.broadcast %mul3A_70 : vector<512x1xf32> to vector<512x512xf32>
      %add3A_105 = vector.broadcast %get3A_85 : vector<1x512xf32> to vector<512x512xf32>
      %add3A_106 = arith.addf %add3A, %add3A_105 : vector<512x512xf32>
      %sub3A_107 = arith.subf %add3A_106, %mul3A_104 : vector<512x512xf32>
      %add3A_108 = arith.constant 9.99999971E-10 : f32
      %add3A_109 = vector.broadcast %add3A_108 : f32 to vector<512x512xf32>
      %add3A_110 = arith.addf %sub3A_107, %add3A_109 : vector<512x512xf32>
      %div3A = arith.divf %mul3A_104, %add3A_110 : vector<512x512xf32>
      %gt3A = arith.constant 0.699999988 : f32
      %gt3A_111 = vector.broadcast %gt3A : f32 to vector<512x512xf32>
      %gt3A_112 = arith.cmpf ogt, %div3A, %gt3A_111 : vector<512x512xf32>
      %and3A = arith.andi %gt3A_112, %lt3A : vector<512x512xi1>
      %jit3A_113 = arith.constant 1.000000e+00 : f32
      %jit3A_114 = arith.constant 0.000000e+00 : f32
      %broadcast_in_dim3A_115 = vector.broadcast %jit3A_113 : f32 to vector<512x512xf32>
      %broadcast_in_dim3A_116 = vector.broadcast %jit3A_114 : f32 to vector<512x512xf32>
      %select_n3A_117 = arith.select %and3A, %broadcast_in_dim3A_115, %broadcast_in_dim3A_116 : vector<512x512xi1>, vector<512x512xf32>
      %get3A_118 = arith.index_cast %scan3A_30 : i32 to index
      %get3A_119 = arith.constant 0 : index
      %get3A_120 = vector.load %arg10[%get3A_118, %get3A_119] : memref<40x512xf32, #tpu.memory_space<vmem>>, vector<1x512xf32>
      %while3A = arith.constant true
      %while3A_121:2 = scf.while (%while3A_138 = %get3A_120, %while3A_139 = %while3A) : (vector<1x512xf32>, i1) -> (vector<1x512xf32>, i1) {
        scf.condition(%while3A_139) %while3A_138, %while3A_139 : vector<1x512xf32>, i1
      } do {
      ^bb0(%while3A_138: vector<1x512xf32>, %while3A_139: i1):
        %dot_general3A = arith.constant dense<0.000000e+00> : vector<1x512xf32>
        %dot_general3A_140 = tpu.matmul %while3A_138, %select_n3A_117, %dot_general3A {dimension_numbers = #tpu.dot_dimension_numbers<[1], [0], [0], [1], [0, 0, 1, 1], [], []>, transpose_lhs_hint = false} : vector<1x512xf32>, vector<512x512xf32>, vector<1x512xf32> -> vector<1x512xf32>
        %gt3A_141 = arith.constant 5.000000e-01 : f32
        %gt3A_142 = vector.broadcast %gt3A_141 : f32 to vector<1x512xf32>
        %gt3A_143 = arith.cmpf ogt, %dot_general3A_140, %gt3A_142 : vector<1x512xf32>
        %jit3A_144 = arith.constant 0.000000e+00 : f32
        %broadcast_in_dim3A_145 = vector.broadcast %jit3A_144 : f32 to vector<1x512xf32>
        %select_n3A_146 = arith.select %gt3A_143, %broadcast_in_dim3A_145, %get3A_120 : vector<1x512xi1>, vector<1x512xf32>
        %ne3A = arith.cmpf one, %select_n3A_146, %while3A_138 : vector<1x512xf32>
        %reduce_or3A = arith.constant 1.000000e+00 : f32
        %reduce_or3A_147 = arith.constant 0.000000e+00 : f32
        %reduce_or3A_148 = vector.broadcast %reduce_or3A : f32 to vector<1x512xf32>
        %reduce_or3A_149 = vector.broadcast %reduce_or3A_147 : f32 to vector<1x512xf32>
        %reduce_or3A_150 = arith.select %ne3A, %reduce_or3A_148, %reduce_or3A_149 : vector<1x512xi1>, vector<1x512xf32>
        %reduce_or3A_151 = vector.shape_cast %reduce_or3A_150 : vector<1x512xf32> to vector<1x1x512xf32>
        %reduce_or3A_152 = arith.constant dense<0xFF800000> : vector<1xf32>
        %reduce_or3A_153 = vector.multi_reduction <maximumf>, %reduce_or3A_151, %reduce_or3A_152 [1, 2] : vector<1x1x512xf32> to vector<1xf32>
        %reduce_or3A_154 = vector.shape_cast %reduce_or3A_153 : vector<1xf32> to vector<1x1x1xf32>
        %reduce_or3A_155 = vector.extract %reduce_or3A_154[0, 0, 0] : f32 from vector<1x1x1xf32>
        %reduce_or3A_156 = arith.constant 0.000000e+00 : f32
        %reduce_or3A_157 = arith.cmpf ogt, %reduce_or3A_155, %reduce_or3A_156 : f32
        scf.yield %select_n3A_146, %reduce_or3A_157 : vector<1x512xf32>, i1
      }
      %swap3A_122 = arith.index_cast %scan3A_30 : i32 to index
      %swap3A_123 = arith.constant 0 : index
      %swap3A_124 = vector.load %arg10[%swap3A_122, %swap3A_123] : memref<40x512xf32, #tpu.memory_space<vmem>>, vector<1x512xf32>
      tpu.vector_store %arg10[%swap3A_122, %swap3A_123], %while3A_121#0 {strides = array<i32>} : memref<40x512xf32, #tpu.memory_space<vmem>>, vector<1x512xf32>,
      %add3A_125 = arith.constant 1 : i32
      %add3A_126 = arith.addi %scan3A_30, %add3A_125 : i32
      %get3A_127 = arith.index_cast %scan3A_30 : i32 to index
      %get3A_128 = memref.load %arg0[%get3A_127] : memref<40xi32, #tpu.memory_space<smem>>
      %while3A_129 = arith.constant 0 : i32
      %while3A_130 = arith.subi %get3A_128, %add3A_126 : i32
      %while3A_131 = arith.addi %add3A_126, %while3A_130 : i32
      %while3A_132 = arith.constant 1 : i32
      %while3A_133 = arith.divsi %while3A_130, %while3A_132 : i32
      %while3A_134 = arith.muli %while3A_133, %while3A_132 : i32
      %while3A_135 = arith.addi %add3A_126, %while3A_134 : i32
      %while3A_136 = arith.constant 1 : i32
      scf.for %while3A_138 = %add3A_126 to %while3A_135 step %while3A_136  : i32 {
        %get3A_139 = arith.index_cast %while3A_138 : i32 to index
        %get3A_140 = arith.constant 0 : index
        %get3A_141 = vector.load %arg1[%get3A_139, %get3A_140] : memref<40x512xf32, #tpu.memory_space<vmem>>, vector<1x512xf32>
        %get3A_142 = arith.index_cast %while3A_138 : i32 to index
        %get3A_143 = arith.constant 0 : index
        %get3A_144 = vector.load %arg2[%get3A_142, %get3A_143] : memref<40x512xf32, #tpu.memory_space<vmem>>, vector<1x512xf32>
        %get3A_145 = arith.index_cast %while3A_138 : i32 to index
        %get3A_146 = arith.constant 0 : index
        %get3A_147 = vector.load %arg3[%get3A_145, %get3A_146] : memref<40x512xf32, #tpu.memory_space<vmem>>, vector<1x512xf32>
        %get3A_148 = arith.index_cast %while3A_138 : i32 to index
        %get3A_149 = arith.constant 0 : index
        %get3A_150 = vector.load %arg4[%get3A_148, %get3A_149] : memref<40x512xf32, #tpu.memory_space<vmem>>, vector<1x512xf32>
        %get3A_151 = arith.index_cast %while3A_138 : i32 to index
        %get3A_152 = arith.constant 0 : index
        %get3A_153 = vector.load %arg11[%get3A_151, %get3A_152] : memref<40x512xf32, #tpu.memory_space<vmem>>, vector<1x512xf32>
        %max3A_154 = vector.broadcast %broadcast_in_dim3A_43 : vector<512x1xf32> to vector<512x512xf32>
        %max3A_155 = vector.broadcast %get3A_141 : vector<1x512xf32> to vector<512x512xf32>
        %max3A_156 = arith.maximumf %max3A_154, %max3A_155 : vector<512x512xf32>
        %max3A_157 = vector.broadcast %broadcast_in_dim3A_51 : vector<512x1xf32> to vector<512x512xf32>
        %max3A_158 = vector.broadcast %get3A_144 : vector<1x512xf32> to vector<512x512xf32>
        %max3A_159 = arith.maximumf %max3A_157, %max3A_158 : vector<512x512xf32>
        %min3A_160 = vector.broadcast %broadcast_in_dim3A_59 : vector<512x1xf32> to vector<512x512xf32>
        %min3A_161 = vector.broadcast %get3A_147 : vector<1x512xf32> to vector<512x512xf32>
        %min3A_162 = arith.minimumf %min3A_160, %min3A_161 : vector<512x512xf32>
        %min3A_163 = vector.broadcast %broadcast_in_dim3A_67 : vector<512x1xf32> to vector<512x512xf32>
        %min3A_164 = vector.broadcast %get3A_150 : vector<1x512xf32> to vector<512x512xf32>
        %min3A_165 = arith.minimumf %min3A_163, %min3A_164 : vector<512x512xf32>
        %sub3A_166 = arith.subf %min3A_162, %max3A_156 : vector<512x512xf32>
        %max3A_167 = arith.constant 0.000000e+00 : f32
        %max3A_168 = vector.broadcast %max3A_167 : f32 to vector<512x512xf32>
        %max3A_169 = arith.maximumf %sub3A_166, %max3A_168 : vector<512x512xf32>
        %sub3A_170 = arith.subf %min3A_165, %max3A_159 : vector<512x512xf32>
        %max3A_171 = arith.constant 0.000000e+00 : f32
        %max3A_172 = vector.broadcast %max3A_171 : f32 to vector<512x512xf32>
        %max3A_173 = arith.maximumf %sub3A_170, %max3A_172 : vector<512x512xf32>
        %mul3A_174 = arith.mulf %max3A_169, %max3A_173 : vector<512x512xf32>
        %add3A_175 = vector.broadcast %mul3A_70 : vector<512x1xf32> to vector<512x512xf32>
        %add3A_176 = vector.broadcast %get3A_153 : vector<1x512xf32> to vector<512x512xf32>
        %add3A_177 = arith.addf %add3A_175, %add3A_176 : vector<512x512xf32>
        %sub3A_178 = arith.subf %add3A_177, %mul3A_174 : vector<512x512xf32>
        %add3A_179 = arith.constant 9.99999971E-10 : f32
        %add3A_180 = vector.broadcast %add3A_179 : f32 to vector<512x512xf32>
        %add3A_181 = arith.addf %sub3A_178, %add3A_180 : vector<512x512xf32>
        %div3A_182 = arith.divf %mul3A_174, %add3A_181 : vector<512x512xf32>
        %gt3A_183 = arith.constant 0.699999988 : f32
        %gt3A_184 = vector.broadcast %gt3A_183 : f32 to vector<512x512xf32>
        %gt3A_185 = arith.cmpf ogt, %div3A_182, %gt3A_184 : vector<512x512xf32>
        %jit3A_186 = arith.constant 1.000000e+00 : f32
        %jit3A_187 = arith.constant 0.000000e+00 : f32
        %broadcast_in_dim3A_188 = vector.broadcast %jit3A_186 : f32 to vector<512x512xf32>
        %broadcast_in_dim3A_189 = vector.broadcast %jit3A_187 : f32 to vector<512x512xf32>
        %select_n3A_190 = arith.select %gt3A_185, %broadcast_in_dim3A_188, %broadcast_in_dim3A_189 : vector<512x512xi1>, vector<512x512xf32>
        %dot_general3A = arith.constant dense<0.000000e+00> : vector<1x512xf32>
        %dot_general3A_191 = tpu.matmul %while3A_121#0, %select_n3A_190, %dot_general3A {dimension_numbers = #tpu.dot_dimension_numbers<[1], [0], [0], [1], [0, 0, 1, 1], [], []>, transpose_lhs_hint = false} : vector<1x512xf32>, vector<512x512xf32>, vector<1x512xf32> -> vector<1x512xf32>
        %get3A_192 = arith.index_cast %while3A_138 : i32 to index
        %get3A_193 = arith.constant 0 : index
        %get3A_194 = vector.load %arg10[%get3A_192, %get3A_193] : memref<40x512xf32, #tpu.memory_space<vmem>>, vector<1x512xf32>
        %gt3A_195 = arith.constant 5.000000e-01 : f32
        %gt3A_196 = vector.broadcast %gt3A_195 : f32 to vector<1x512xf32>
        %gt3A_197 = arith.cmpf ogt, %dot_general3A_191, %gt3A_196 : vector<1x512xf32>
        %jit3A_198 = arith.constant 0.000000e+00 : f32
        %broadcast_in_dim3A_199 = vector.broadcast %jit3A_198 : f32 to vector<1x512xf32>
        %select_n3A_200 = arith.select %gt3A_197, %broadcast_in_dim3A_199, %get3A_194 : vector<1x512xi1>, vector<1x512xf32>
        %swap3A_201 = arith.index_cast %while3A_138 : i32 to index
        %swap3A_202 = arith.constant 0 : index
        %swap3A_203 = vector.load %arg10[%swap3A_201, %swap3A_202] : memref<40x512xf32, #tpu.memory_space<vmem>>, vector<1x512xf32>
        tpu.vector_store %arg10[%swap3A_201, %swap3A_202], %select_n3A_200 {strides = array<i32>} : memref<40x512xf32, #tpu.memory_space<vmem>>, vector<1x512xf32>,
      }
      %while3A_137 = arith.constant 1 : i32
      scf.for %while3A_138 = %while3A_135 to %while3A_131 step %while3A_137  : i32 {
        %get3A_139 = arith.index_cast %while3A_138 : i32 to index
        %get3A_140 = arith.constant 0 : index
        %get3A_141 = vector.load %arg1[%get3A_139, %get3A_140] : memref<40x512xf32, #tpu.memory_space<vmem>>, vector<1x512xf32>
        %get3A_142 = arith.index_cast %while3A_138 : i32 to index
        %get3A_143 = arith.constant 0 : index
        %get3A_144 = vector.load %arg2[%get3A_142, %get3A_143] : memref<40x512xf32, #tpu.memory_space<vmem>>, vector<1x512xf32>
        %get3A_145 = arith.index_cast %while3A_138 : i32 to index
        %get3A_146 = arith.constant 0 : index
        %get3A_147 = vector.load %arg3[%get3A_145, %get3A_146] : memref<40x512xf32, #tpu.memory_space<vmem>>, vector<1x512xf32>
        %get3A_148 = arith.index_cast %while3A_138 : i32 to index
        %get3A_149 = arith.constant 0 : index
        %get3A_150 = vector.load %arg4[%get3A_148, %get3A_149] : memref<40x512xf32, #tpu.memory_space<vmem>>, vector<1x512xf32>
        %get3A_151 = arith.index_cast %while3A_138 : i32 to index
        %get3A_152 = arith.constant 0 : index
        %get3A_153 = vector.load %arg11[%get3A_151, %get3A_152] : memref<40x512xf32, #tpu.memory_space<vmem>>, vector<1x512xf32>
        %max3A_154 = vector.broadcast %broadcast_in_dim3A_43 : vector<512x1xf32> to vector<512x512xf32>
        %max3A_155 = vector.broadcast %get3A_141 : vector<1x512xf32> to vector<512x512xf32>
        %max3A_156 = arith.maximumf %max3A_154, %max3A_155 : vector<512x512xf32>
        %max3A_157 = vector.broadcast %broadcast_in_dim3A_51 : vector<512x1xf32> to vector<512x512xf32>
        %max3A_158 = vector.broadcast %get3A_144 : vector<1x512xf32> to vector<512x512xf32>
        %max3A_159 = arith.maximumf %max3A_157, %max3A_158 : vector<512x512xf32>
        %min3A_160 = vector.broadcast %broadcast_in_dim3A_59 : vector<512x1xf32> to vector<512x512xf32>
        %min3A_161 = vector.broadcast %get3A_147 : vector<1x512xf32> to vector<512x512xf32>
        %min3A_162 = arith.minimumf %min3A_160, %min3A_161 : vector<512x512xf32>
        %min3A_163 = vector.broadcast %broadcast_in_dim3A_67 : vector<512x1xf32> to vector<512x512xf32>
        %min3A_164 = vector.broadcast %get3A_150 : vector<1x512xf32> to vector<512x512xf32>
        %min3A_165 = arith.minimumf %min3A_163, %min3A_164 : vector<512x512xf32>
        %sub3A_166 = arith.subf %min3A_162, %max3A_156 : vector<512x512xf32>
        %max3A_167 = arith.constant 0.000000e+00 : f32
        %max3A_168 = vector.broadcast %max3A_167 : f32 to vector<512x512xf32>
        %max3A_169 = arith.maximumf %sub3A_166, %max3A_168 : vector<512x512xf32>
        %sub3A_170 = arith.subf %min3A_165, %max3A_159 : vector<512x512xf32>
        %max3A_171 = arith.constant 0.000000e+00 : f32
        %max3A_172 = vector.broadcast %max3A_171 : f32 to vector<512x512xf32>
        %max3A_173 = arith.maximumf %sub3A_170, %max3A_172 : vector<512x512xf32>
        %mul3A_174 = arith.mulf %max3A_169, %max3A_173 : vector<512x512xf32>
        %add3A_175 = vector.broadcast %mul3A_70 : vector<512x1xf32> to vector<512x512xf32>
        %add3A_176 = vector.broadcast %get3A_153 : vector<1x512xf32> to vector<512x512xf32>
        %add3A_177 = arith.addf %add3A_175, %add3A_176 : vector<512x512xf32>
        %sub3A_178 = arith.subf %add3A_177, %mul3A_174 : vector<512x512xf32>
        %add3A_179 = arith.constant 9.99999971E-10 : f32
        %add3A_180 = vector.broadcast %add3A_179 : f32 to vector<512x512xf32>
        %add3A_181 = arith.addf %sub3A_178, %add3A_180 : vector<512x512xf32>
        %div3A_182 = arith.divf %mul3A_174, %add3A_181 : vector<512x512xf32>
        %gt3A_183 = arith.constant 0.699999988 : f32
        %gt3A_184 = vector.broadcast %gt3A_183 : f32 to vector<512x512xf32>
        %gt3A_185 = arith.cmpf ogt, %div3A_182, %gt3A_184 : vector<512x512xf32>
        %jit3A_186 = arith.constant 1.000000e+00 : f32
        %jit3A_187 = arith.constant 0.000000e+00 : f32
        %broadcast_in_dim3A_188 = vector.broadcast %jit3A_186 : f32 to vector<512x512xf32>
        %broadcast_in_dim3A_189 = vector.broadcast %jit3A_187 : f32 to vector<512x512xf32>
        %select_n3A_190 = arith.select %gt3A_185, %broadcast_in_dim3A_188, %broadcast_in_dim3A_189 : vector<512x512xi1>, vector<512x512xf32>
        %dot_general3A = arith.constant dense<0.000000e+00> : vector<1x512xf32>
        %dot_general3A_191 = tpu.matmul %while3A_121#0, %select_n3A_190, %dot_general3A {dimension_numbers = #tpu.dot_dimension_numbers<[1], [0], [0], [1], [0, 0, 1, 1], [], []>, transpose_lhs_hint = false} : vector<1x512xf32>, vector<512x512xf32>, vector<1x512xf32> -> vector<1x512xf32>
        %get3A_192 = arith.index_cast %while3A_138 : i32 to index
        %get3A_193 = arith.constant 0 : index
        %get3A_194 = vector.load %arg10[%get3A_192, %get3A_193] : memref<40x512xf32, #tpu.memory_space<vmem>>, vector<1x512xf32>
        %gt3A_195 = arith.constant 5.000000e-01 : f32
        %gt3A_196 = vector.broadcast %gt3A_195 : f32 to vector<1x512xf32>
        %gt3A_197 = arith.cmpf ogt, %dot_general3A_191, %gt3A_196 : vector<1x512xf32>
        %jit3A_198 = arith.constant 0.000000e+00 : f32
        %broadcast_in_dim3A_199 = vector.broadcast %jit3A_198 : f32 to vector<1x512xf32>
        %select_n3A_200 = arith.select %gt3A_197, %broadcast_in_dim3A_199, %get3A_194 : vector<1x512xi1>, vector<1x512xf32>
        %swap3A_201 = arith.index_cast %while3A_138 : i32 to index
        %swap3A_202 = arith.constant 0 : index
        %swap3A_203 = vector.load %arg10[%swap3A_201, %swap3A_202] : memref<40x512xf32, #tpu.memory_space<vmem>>, vector<1x512xf32>
        tpu.vector_store %arg10[%swap3A_201, %swap3A_202], %select_n3A_200 {strides = array<i32>} : memref<40x512xf32, #tpu.memory_space<vmem>>, vector<1x512xf32>,
      }
    }
    %scan3A_29 = arith.constant 40 : i32
    return
  }
}

</mosaic_0001>

<sc_bundles>
// kernel: gather_offload_async_start.1
scs
__scs_entry_jumppad:
0x0: {  	(pc) =	sbr.rel $0x88, $3  }
0x1: {  	(tag) =	ssettag $0x0;
	lr =	simm.s32 $0x1  }
0x2: {  	[smem:$0x3F9E] =	sst lr;
	_ =	strace $0xD0000000  }
0x3: {  	_ = 	snop  }
0x4: {  	_ = 	snop  }
0x5: {  	_ = 	snop  }
0x6: {  	_ = 	snop  }
0x7: {  	_ = 	snop  }
__scs_overlays_trampoline_lowered:
0x8: {  	[smem:$0x3FAD] =	sst s0  }
0x9: {  	[smem:$0x3FAE] =	sst s1  }
0xa: {  	[smem:$0x3FAF] =	sst s2  }
0xb: {  	[smem:$0x3FB0] =	sst s3  }
0xc: {  	[smem:$0x3FB1] =	sst s4  }
0xd: {  	[smem:$0x3FB2] =	sst s5  }
0xe: {  	[smem:$0x3FB3] =	sst s6  }
0xf: {  	[smem:$0x3FB4] =	sst s7  }
0x10: {  	[smem:$0x3FB5] =	sst s8  }
0x11: {  	[smem:$0x3FB6] =	sst s9;
	s0 =	simm.s32 @!p0 $0x0  }
0x12: {  	s1 =	sld [smem:$0x3F9C];
	s0 =	simm.s32 @p0 $0x1  }
0x13: {  	[smem:$0x3FB7] =	sst s0;
	s0 =	simm.s32 @!p1 $0x0  }
0x14: {  	s2 =	sld [smem:$0x3F9B];
	s0 =	simm.s32 @p1 $0x1  }
0x15: {  	[smem:$0x3FB8] =	sst s0;
	s0 =	simm.s32 @!p2 $0x0  }
0x16: {  	s3 =	sld [smem:$0x3FDB];
	s0 =	simm.s32 @p2 $0x1  }
0x17: {  	s4 =	simm.s32 $0x1BF5;
	[smem:$0x3FBA] =	sst s0  }
0x18: {  	s0 =	sld [smem:$0x3F9D];
	_ =	swait.ge [sflag:s4], $0x0  }
0x19: {  	s7 =	sld [smem:$0x3F9E]  }
0x1a: {  	s8 =	sadd.s32 $0xFFFFE003, lr  }
0x1b: {  	s9 =	sadd.s32 $0xFFFFFEF7, lr;
	s5 =	simm.s32 $0xFFFFFFFF;
	p2 =	slt.u32 s8, $0xFFFFF086  }
0x1c: {  	p1 =	slt.u32 s9, $0xF7A;
	s5 =	simm.s32 @!p2 $0x0  }
0x1d: {  	s5 =	simm.s32 @p1 $0x1;
	p0 =	seq.s32 s7, s2  }
0x1e: {  	s7 =	smul.u32 @!p0 $0xF7A, s2;
	p2 =	seq.s32 @!p0 s5, $0x0  }
0x1f: {  	s9 =	smul.u32 $0xF7A, s1;
	s8 =	simm.s32 @!p0 $0x1BF5;
	p2 =	por !p2, p0  }
0x20: {  	[sflag:s8] =	ssyncset.s32 @!p0 $0xFFFFF086;
	s6 =	sadd.s32 @!p0 s3, s7;
	s7 =	simm.s32 @!p0 $0x108  }
0x21: {  	s3 =	sadd.s32 s3, s9;
	s6 =	sadd.s32 @!p0 $0x88, s6;
	s7 =	simm.s32 @p2 $0x1082  }
0x22: {  	[simem:s7], [sflag:s8] =	dma.local @!p0 [hbm:s6], $0xF7A  }
0x23: {  	s9 =	sor.u32 $0xD0000000, s2;
	s6 =	simm.s32 $0x108;
	_ =	swait.ge @!p0 [sflag:s8], $0x0  }
0x24: {  	s3 =	sadd.s32 $0x88, s3;
	s6 =	simm.s32 @!p1 $0x1082;
	[sflag:s4] =	ssyncset.s32 $0xFFFFF086  }
0x25: {  	[simem:s6], [sflag:s4] =	dma.local [hbm:s3], $0xF7A  }
0x26: {  	[smem:$0x3F9E] =	sst s1;
	(tag) =	ssettag s2;
	_ =	strace s9  }
0x27: {  	s1 =	sld [smem:$0x3FAE]  }
0x28: {  	s2 =	sld [smem:$0x3FAF]  }
0x29: {  	s4 =	sld [smem:$0x3FB1]  }
0x2a: {  	p0 =	seq.s32 s5, $0x0;
	s5 =	sld [smem:$0x3FB2]  }
0x2b: {  	s6 =	sld [smem:$0x3FB3]  }
0x2c: {  	s7 =	sld [smem:$0x3FB4]  }
0x2d: {  	s3 =	simm.s32 $0x108;
	s8 =	sld [smem:$0x3FB5]  }
0x2e: {  	s3 =	simm.s32 @!p0 $0x1082;
	s9 =	sld [smem:$0x3FB6]  }
0x2f: {  	lr =	sadd.s32 s0, s3;
	s0 =	sld [smem:$0x3FAD]  }
0x30: {  	s3 =	sld [smem:$0x3FB0]  }
0x31: {  	[smem:$0x3FB9] =	sst s10  }
0x32: {  	s10 =	sld [smem:$0x3FB7];
	_ =	sdelay $0x3  }
0x33: {  	p0 =	seq.s32 s10, $0x1;
	s10 =	sld [smem:$0x3FB9];
	_ =	sdelay $0x3  }
0x34: {  	[smem:$0x3FB9] =	sst s10  }
0x35: {  	s10 =	sld [smem:$0x3FB8];
	_ =	sdelay $0x3  }
0x36: {  	p1 =	seq.s32 s10, $0x1;
	s10 =	sld [smem:$0x3FB9];
	_ =	sdelay $0x3  }
0x37: {  	[smem:$0x3FB9] =	sst s10  }
0x38: {  	s10 =	sld [smem:$0x3FBA]  }
0x39: {  	_ = 	snop;
	(pc) =	sbr.ind lr, $3  }
0x3a: {  	_ = 	snop  }
0x3b: {  	_ = 	snop  }
0x3c: {  	p2 =	seq.s32 s10, $0x1;
	s10 =	sld [smem:$0x3FB9]  }
0x3d: {  	_ =	shalt  }
0x3e: {  	_ =	shalt  }
0x3f: {  	_ =	shalt  }
0x40: {  	_ =	shalt  }
0x41: {  	_ =	shalt  }
0x42: {  	_ =	shalt  }
0x43: {  	_ =	shalt  }
0x44: {  	_ =	shalt  }
0x45: {  	_ =	shalt  }
0x46: {  	_ =	shalt  }
0x47: {  	_ =	shalt  }
0x48: {  	_ =	shalt  }
0x49: {  	_ =	shalt  }
0x4a: {  	_ =	shalt  }
0x4b: {  	_ =	shalt  }
0x4c: {  	_ =	shalt  }
0x4d: {  	_ =	shalt  }
0x4e: {  	_ =	shalt  }
0x4f: {  	_ =	shalt  }
0x50: {  	_ =	shalt  }
0x51: {  	_ =	shalt  }
0x52: {  	_ =	shalt  }
0x53: {  	_ =	shalt  }
0x54: {  	_ =	shalt  }
0x55: {  	_ =	shalt  }
0x56: {  	_ =	shalt  }
0x57: {  	_ =	shalt  }
0x58: {  	_ =	shalt  }
0x59: {  	_ =	shalt  }
0x5a: {  	_ =	shalt  }
0x5b: {  	_ =	shalt  }
0x5c: {  	_ =	shalt  }
0x5d: {  	_ =	shalt  }
0x5e: {  	_ =	shalt  }
0x5f: {  	_ =	shalt  }
0x60: {  	_ =	shalt  }
0x61: {  	_ =	shalt  }
0x62: {  	_ =	shalt  }
0x63: {  	_ =	shalt  }
0x64: {  	_ =	shalt  }
0x65: {  	_ =	shalt  }
0x66: {  	_ =	shalt  }
0x67: {  	_ =	shalt  }
0x68: {  	_ =	shalt  }
0x69: {  	_ =	shalt  }
0x6a: {  	_ =	shalt  }
0x6b: {  	_ =	shalt  }
0x6c: {  	_ =	shalt  }
0x6d: {  	_ =	shalt  }
0x6e: {  	_ =	shalt  }
0x6f: {  	_ =	shalt  }
0x70: {  	_ =	shalt  }
0x71: {  	_ =	shalt  }
0x72: {  	_ =	shalt  }
0x73: {  	_ =	shalt  }
0x74: {  	_ =	shalt  }
0x75: {  	_ =	shalt  }
0x76: {  	_ =	shalt  }
0x77: {  	_ =	shalt  }
0x78: {  	_ =	shalt  }
0x79: {  	_ =	shalt  }
0x7a: {  	_ =	shalt  }
0x7b: {  	_ =	shalt  }
0x7c: {  	_ =	shalt  }
0x7d: {  	_ =	shalt  }
0x7e: {  	_ =	shalt  }
0x7f: {  	_ =	shalt  }
0x80: {  	_ =	shalt  }
0x81: {  	_ =	shalt  }
0x82: {  	_ =	shalt  }
0x83: {  	_ =	shalt  }
0x84: {  	_ =	shalt  }
0x85: {  	_ =	shalt  }
0x86: {  	_ =	shalt  }
0x87: {  	_ =	shalt  }
.Lfunc_end0:
.L_simem_size_0:
called_computation.2_lowered:
.L_overlay_start_0:
0x88: {  	s2 =	sld [smem:$0x3FD9]  }
0x89: {  	s3 =	sld [smem:$0x3FFE];
	_ =	sdelay $0x1  }
0x8a: {  	s1 =	srdreg.scid  }
0x8b: {  	s0 =	sand.u32 $0x1, s1  }
0x8c: {  	s17 =	sshll.u32 s0, $0xA;
	s2 =	sadd.s32 s3, s2  }
0x8d: {  	s2 =	sadd.s32 s2, s17  }
0x8e: {  	[smem:$0x3FC5] =	sst s2  }
0x8f: {  	_ = 	snop  }
0x90: {  	s2 =	sld [smem:$0x3FC8];
	(tm) =	ssettm $0x1  }
0x91: {  	s18 =	sld [smem:$0x3FFB];
	_ =	sdelay $0x3  }
0x92: {  	_ =	strace s18  }
0x93: {  	s3 =	sld [smem:$0x3FFC];
	_ =	sdelay $0x3  }
0x94: {  	_ =	strace s3  }
0x95: {  	s3 =	sld [smem:$0x3FFD];
	_ =	sdelay $0x3  }
0x96: {  	_ =	strace s3  }
0x97: {  	_ =	strace $0x8FFFFFFF  }
0x98: {  	s19 =	sld [smem:$0x3FDB];
	_ =	sdelay $0x1  }
0x99: {  	s4 =	simm.s32 $_scs_section_size  }
0x9a: {  	s5 =	simm.s32 $_size__tile_overlayer_lowered;
	s6 =	simm.s32 $_tile_overlayer_lowered  }
0x9b: {  	s22 =	simm.s32 $0x1BFF;
	s21 =	sshll.u32 s6, $0x1;
	s3 =	sadd.s32 s4, s19  }
0x9c: {  	s7 =	simm.s32 $0x0;
	s20 =	sshll.u32 s5, $0x1;
	s5 =	sadd.s32 s21, s3  }
0x9d: {  	[timem:s7], [sflag:s22] =	dma.local [hbm:s5], s20  }
0x9e: {  	_ =	swait.ge [sflag:s22], s20  }
0x9f: {  	s4 =	ssub.s32 $0x0, s20;
	[sflag:s22] =	ssyncset.done $0x0  }
0xa0: {  	[sflag:s22] =	ssyncadd.s32 s4;
	_ =	sdelay $0x1  }
0xa1: {  	s23 =	simm.s32 $0x1B8B  }
0xa2: {  	_ =	swait.ge [sflag:s23], $0x1  }
0xa3: {  	[sflag:s23] =	ssyncset.done $0x0  }
0xa4: {  	s25 =	simm.s32 $0x1B8E;
	s24 =	sld [smem:$0x3FFE];
	[sflag:s23] =	ssyncadd.s32 $0xFFFFFFFF  }
0xa5: {  	s26 =	simm.s32 $execute0_lowered;
	[smem:$0x3FD2] =	sst s25  }
0xa6: {  	s5 =	sshll.u32 s26, $0x1;
	_ =	strace $0x80000049;
	[dreg:$0x1] =	wrdreg $0xFFFFFFFF  }
0xa7: {  	s28 =	simm.s32 $_size_execute0_lowered;
	s3 =	sadd.s32 s3, s5;
	[dreg:$0x0] =	wrdreg $0x0  }
0xa8: {  	s5 =	sshll.u32 s28, $0x1;
	[dreg:$0x2] =	wrdreg s3  }
0xa9: {  	[dreg:$0x3] =	wrdreg s5  }
0xaa: {  	[dreg:$0x4] =	wrdreg $0xC0  }
0xab: {  	_ =	task [dreg:s7], $0x5FFFF  }
0xac: {  	[dreg:$0x1] =	wrdreg $0xFFFFFFFF  }
0xad: {  	[dreg:$0x0] =	wrdreg $0x60  }
0xae: {  	[dreg:$0x2] =	wrdreg s2  }
0xaf: {  	[dreg:$0x3] =	wrdreg s24  }
0xb0: {  	[dreg:$0x4] =	wrdreg $0xA  }
0xb1: {  	_ =	task.clear_ibuf [dreg:s7], $0x5FFFF;
	_ =	strace $0x90000049  }
0xb2: {  	s29 =	simm.s32 $0xA;
	_ =	strace $0x8000004B  }
0xb3: {  	_ =	swait.ge [sflag:s29], $0x1  }
0xb4: {  	[sflag:s29] =	ssyncadd.s32 $0xFFFFFFFF  }
0xb5: {  	_ =	strace $0x9000004B  }
0xb6: {  	_ =	sfence  }
0xb7: {  	s30 =	sld [smem:$0x0];
	_ =	sdelay $0x2  }
0xb8: {  	s31 =	sshll.u32 s1, $0xD;
	s1 =	sshrl.u32 s1, $0x2  }
0xb9: {  	s3 =	sand.u32 $0x4000, s31;
	s1 =	sadd.s32 s1, s30  }
0xba: {  	s0 =	sor.u32 s3, s0;
	s1 =	sshll.u32 s1, $0x11  }
0xbb: {  	s0 =	sor.u32 s1, s0  }
0xbc: {  	s0 =	sadd.s32 $0x8F2B, s0  }
0xbd: {  	[sflag:s0] =	ssyncadd.remote.s32 $0x1  }
0xbe: {  	_ =	sfence.sel $0xFFFF  }
0xbf: {  	[dreg:$0x0] =	wrdreg $0xFFFFFFFF;
	(pc) =	sbr.abs _section_cstart, $3  }
0xc0: {  	[dreg:$0x1] =	wrdreg $0xFFFFFFFF  }
0xc1: {  	_ =	task.clear_ibuf [dreg:s7], $0x2FFFF;
	_ =	strace $0x9FFFFFFF  }
0xc2: {  	(tm) =	ssettm $0x7FFFFFFF  }
0xc3: {  	_ =	shalt  }
tec
execute0_lowered:
.L_overlay_start_1:
0x0: {  	(tag) =	ssettag $0x1  }
0x1: {  	s2 =	rddreg [dreg:$0x0]  }
0x2: {  	s3 =	rddreg [dreg:$0x1];
	s1 =	stileid.u32  }
0x3: {  	s4 =	srdreg.scid;
	s0 =	rddreg [dreg:$0x2];
	_ =	strace $0x8000004A  }
0x4: {  	s7 =	simm.s32 $0x1;
	s8 =	simm.s32 $0x1;
	s9 =	simm.s32 $0x3  }
0x5: {  	s10 =	simm.s32 $0x0;
	s5 =	sand.u32 $0x1, s4;
	s6 =	sshll.u32 s1, $0x1  }
0x6: {  	s13 =	simm.s32 $0x0;
	s4 =	simm.s32 $0x1;
	s5 =	sor.u32 s6, s5  }
.Ltmp0:
0x7: {  	[sflag:s4] =	ssyncpa.u1 $0x0;
	p0 =	slt.u32 s5, $0x13;
	(pc) =	sbr.rel .LBB2_1-.Ltmp0, $4  }
0x8: {  	s6 =	simm.s32 $0x2;
	s7 =	simm.s32 @!p0 $0x0;
	p0 =	sne.s32 s5, $0x12  }
0x9: {  	[sflag:s6] =	ssyncpa.u1 $0x0;
	s5 =	smul.u32 $0x190, s5;
	s8 =	simm.s32 @!p0 $0x0  }
0xa: {  	s12 =	simm.s32 $0x0;
	[sflag:s9] =	ssyncpa.u1 $0x0;
	s7 =	sadd.s32 s8, s7  }
0xb: {  	vm0 =	vmmov $0xffff;
	s8 =	sadd.s32 $0x4F800, s3;
	s11 =	smov.u32 s5;
	s9 =	sadd.s32 $0x1, s7  }
.LBB2_4:
0xc: {  	v2 =	vnsel vm1, $0x0, v2  }
0xd: {  	vm1 =	vgt.s32 v0, $0x0;
	v2 =	vmin.u32 v2, $0x4E1F  }
0xe: {  	v0 =	vnsel vm1, $0x0, v0  }
0xf: {  	v0 =	vmin.u32 v0, $0x4E1F  }
0x10: {  	[tilespmem:s18], [sflag:$0x1] =	stream.indirect_vreg.gather [hbm4b:s2+s10], $0x1, v1, vm0, $0x4038;
	[tilespmem:$0x640] =	vst v63  }
0x11: {  	(ifvalue) =	ssetifvalue $0x7FFFFFFF  }
0x12: {  	[tilespmem:s15], [sflag:$0x1] =	stream.indirect_vreg.gather [hbm4b:s2+s10], $0x1, v2, vm0, $0x4038;
	[tilespmem:$0x640] =	vst v63  }
0x13: {  	s29 =	sadd.s32 $0x10, s15;
	(ifvalue) =	ssetifvalue $0x7FFFFFFF  }
0x14: {  	[tilespmem:s29], [sflag:$0x1] =	stream.indirect_vreg.gather [hbm4b:s2+s10], $0x1, v0, vm0, $0x4038;
	[tilespmem:$0x640] =	vst v63  }
0x15: {  	_ =	swait.ge [sflag:s4], $0x190  }
0x16: {  	s30 =	sshrl.u32 s13, $0x3;
	[sflag:s4] =	ssyncset.done $0x0  }
0x17: {  	s31 =	sand.u32 $0x7, s13;
	s15 =	sadd.s32 s3, s30;
	[sflag:s4] =	ssyncadd.s32 $0xFFFFFE70  }
0x18: {  	[hbm4b:s15+s31] =	stream.linear.scatter [tilespmem:s14], [sflag:$0x3], $0x190, $0x38;
	[tilespmem:$0x640] =	vst v63  }
.LBB2_5:
0x19: {  	s15 =	sadd.s32 $0x3200, s11  }
0x1a: {  	p1 =	sgt.s32 s15, $0x4E1F  }
0x1b: {  	s15 =	smov.u32 @p1 s5;
	p1 =	sne.s32 s12, s9  }
.Ltmp1:
0x1c: {  	p0 =	slt.u32 s12, $0x2;
	(pc) =	sbr.rel @!p1 .LBB2_6-.Ltmp1, $4  }
0x1d: {  	s14 =	simm.s32 @!p0 $0x3  }
0x1e: {  	_ =	swait.ge @!p0 [sflag:s14], $0x190  }
0x1f: {  	s16 =	sadd.s32 $0x1, s12;
	s13 =	smov.u32 s11;
	[sflag:s14] =	ssyncset.done @!p0 $0x0  }
0x20: {  	s12 =	smov.u32 s16;
	s11 =	smov.u32 s15;
	[sflag:s14] =	ssyncadd.s32 @!p0 $0xFFFFFE70  }
.LBB2_1:
0x21: {  	p0 =	sge.u32 s12, s7  }
0x22: {  	s14 =	sxor.u32 @!p0 $0x1, s12  }
0x23: {  	s14 =	smul.u32 @!p0 $0x640, s14  }
0x24: {  	s31 =	sadd.s32 $0xFFFFFFFF, s12;
	s15 =	sshrl.u32 @!p0 s11, $0x3  }
0x25: {  	s16 =	sand.u32 @!p0 $0x7, s11;
	s15 =	sadd.s32 @!p0 s8, s15;
	s14 =	sshra.s32 @!p0 s14, $0x2  }
0x26: {  	[tilespmem:s14], [sflag:$0x2] =	stream.linear.gather @!p0 [hbm4b:s15+s16], $0x190, $0x38;
	[tilespmem:$0x640] =	vst v63  }
0x27: {  	p0 =	sge.u32 s31, s7  }
.Ltmp2:
0x28: {  	_ = 	snop;
	(pc) =	sbr.rel @p0 .LBB2_5-.Ltmp2, $1  }
0x29: {  	_ =	sdelay $0x3  }
0x2a: {  	s14 =	sand.u32 $0x1, s12  }
0x2b: {  	_ =	swait.ge [sflag:s6], $0x190;
	p0 =	seq.s32 s14, $0x1;
	s14 =	simm.s32 $0x190  }
0x2c: {  	[sflag:s6] =	ssyncset.done $0x0;
	s14 =	simm.s32 @!p0 $0x0  }
0x2d: {  	[sflag:s6] =	ssyncadd.s32 $0xFFFFFE70;
	(ifvalue) =	ssetifvalue $0x7FFFFFFF;
	v0 =	vld.msk [tilespmem:s14+$0x0 ss:$0x1], $0xffff;
	_ =	sdelay $0x4  }
0x2e: {  	s15 =	sadd.s32 $0x10, s14;
	vm1 =	vgt.s32 v0, $0x0  }
0x2f: {  	v2 =	vld.msk [tilespmem:s15+$0x0 ss:$0x1], $0xffff;
	v1 =	vnsel vm1, $0x0, v0  }
0x30: {  	v1 =	vmin.u32 v1, $0x4E1F;
	_ =	sdelay $0x2  }
0x31: {  	s17 =	simm.s32 $0x20;
	s14 =	sadd.s32 $0x320, s14;
	s16 =	sadd.s32 $0x10, s15  }
0x32: {  	s15 =	sadd.s32 $0x10, s14;
	s18 =	smov.u32 s14;
	v0 =	vld.msk [tilespmem:s16+$0x0 ss:$0x1], $0xffff;
	vm1 =	vgt.s32 v2, $0x0;
	(ifvalue) =	ssetifvalue $0x7FFFFFFF  }
.LBB2_3:
0x33: {  	[tilespmem:s18], [sflag:$0x1] =	stream.indirect_vreg.gather [hbm4b:s2+s10], $0x1, v1, vm0, $0x4038;
	[tilespmem:$0x640] =	vst v63  }
0x34: {  	s17 =	sadd.s32 $0x10, s17  }
0x35: {  	v2 =	vnsel vm1, $0x0, v2;
	p0 =	slt.u32 s17, $0x180  }
.Ltmp3:
0x36: {  	s18 =	smov.u32 s15;
	v1 =	vmin.u32 v2, $0x4E1F;
	(pc) =	sbr.rel @p0 .LBB2_3-.Ltmp3, $3  }
0x37: {  	_ =	sdelay $0x1  }
0x38: {  	s16 =	sadd.s32 $0x10, s16  }
0x39: {  	vm1 =	vgt.s32 v0, $0x0;
	s15 =	sadd.s32 $0x10, s15;
	v2 =	vmov v0;
	(ifvalue) =	ssetifvalue $0x7FFFFFFF;
	v0 =	vld.msk [tilespmem:s16+$0x0 ss:$0x1], $0xffff  }
.Ltmp4:
0x3a: {  	_ = 	snop;
	(pc) =	sbr.rel .LBB2_4-.Ltmp4, $1  }
0x3b: {  	_ =	sdelay $0x3  }
.LBB2_6:
0x3c: {  	_ =	sfence.sel $0x180000  }
0x3d: {  	s2 =	simm.s32 $0x2;
	[bflag:$0x0] =	sbarrier.arrive $0xFFFF  }
0x3e: {  	s30 =	simm.s32 $0x3;
	[sflag:s2] =	ssyncpa.u1 $0x1  }
0x3f: {  	s31 =	simm.s32 $0x1;
	[sflag:s30] =	ssyncpa.u1 $0x1  }
0x40: {  	[sflag:s31] =	ssyncpa.u1 $0x1  }
0x41: {  	p0 =	sne.s32 s1, $0x0;
	_ =	strace $0x9000004A  }
0x42: {  	s0 =	sadd.s32 @!p0 $0x100000, s0;
	[bflag:$0x2] =	sbarrier.arrive $0xFFFF  }
0x43: {  	[sflag:s0] =	ssyncadd.tile.s32 @!p0 $0x1;
	_ =	shalt  }
.Lfunc_end2:
_tile_overlayer_lowered:
.L_overlay_start_2:
0x44: {  	(tag) =	ssettag $0x2  }
0x45: {  	s0 =	rddreg [dreg:$0x0];
	s2 =	stileid.u32  }
0x46: {  	s1 =	rddreg [dreg:$0x1];
	p0 =	sne.s32 s2, $0x0  }
0x47: {  	s3 =	rddreg [dreg:$0x2];
	[bflag:$0x3] =	sbarrier.arrive $0xFFFF;
	s2 =	simm.s32 @!p0 $0x1C01  }
0x48: {  	[timem:s3], [sflag:s2] =	dma.local @!p0 [hbm:s0], s1  }
0x49: {  	s0 =	simm.s32 @!p0 $0x1  }
0x4a: {  	_ =	swait.ge @!p0 [sflag:s0], s1  }
0x4b: {  	s1 =	ssub.s32 @!p0 $0x0, s1;
	[sflag:s0] =	ssyncset.done @!p0 $0x0  }
0x4c: {  	[sflag:s0] =	ssyncadd.s32 @!p0 s1  }
0x4d: {  	[bflag:$0x3] =	sbarrier.arrive $0xFFFF  }
0x4e: {  	_ =	shalt  }

// kernel: gather_offload_async_start
scs
__scs_entry_jumppad:
0x0: {  	(pc) =	sbr.rel $0x88, $3  }
0x1: {  	(tag) =	ssettag $0x0;
	lr =	simm.s32 $0x1  }
0x2: {  	[smem:$0x3F9E] =	sst lr;
	_ =	strace $0xD0000000  }
0x3: {  	_ = 	snop  }
0x4: {  	_ = 	snop  }
0x5: {  	_ = 	snop  }
0x6: {  	_ = 	snop  }
0x7: {  	_ = 	snop  }
__scs_overlays_trampoline_lowered:
0x8: {  	[smem:$0x3FAD] =	sst s0  }
0x9: {  	[smem:$0x3FAE] =	sst s1  }
0xa: {  	[smem:$0x3FAF] =	sst s2  }
0xb: {  	[smem:$0x3FB0] =	sst s3  }
0xc: {  	[smem:$0x3FB1] =	sst s4  }
0xd: {  	[smem:$0x3FB2] =	sst s5  }
0xe: {  	[smem:$0x3FB3] =	sst s6  }
0xf: {  	[smem:$0x3FB4] =	sst s7  }
0x10: {  	[smem:$0x3FB5] =	sst s8  }
0x11: {  	[smem:$0x3FB6] =	sst s9;
	s0 =	simm.s32 @!p0 $0x0  }
0x12: {  	s1 =	sld [smem:$0x3F9C];
	s0 =	simm.s32 @p0 $0x1  }
0x13: {  	[smem:$0x3FB7] =	sst s0;
	s0 =	simm.s32 @!p1 $0x0  }
0x14: {  	s2 =	sld [smem:$0x3F9B];
	s0 =	simm.s32 @p1 $0x1  }
0x15: {  	[smem:$0x3FB8] =	sst s0;
	s0 =	simm.s32 @!p2 $0x0  }
0x16: {  	s3 =	sld [smem:$0x3FDB];
	s0 =	simm.s32 @p2 $0x1  }
0x17: {  	s4 =	simm.s32 $0x1BF5;
	[smem:$0x3FBA] =	sst s0  }
0x18: {  	s0 =	sld [smem:$0x3F9D];
	_ =	swait.ge [sflag:s4], $0x0  }
0x19: {  	s7 =	sld [smem:$0x3F9E]  }
0x1a: {  	s8 =	sadd.s32 $0xFFFFE003, lr  }
0x1b: {  	s9 =	sadd.s32 $0xFFFFFEF7, lr;
	s5 =	simm.s32 $0xFFFFFFFF;
	p2 =	slt.u32 s8, $0xFFFFF086  }
0x1c: {  	p1 =	slt.u32 s9, $0xF7A;
	s5 =	simm.s32 @!p2 $0x0  }
0x1d: {  	s5 =	simm.s32 @p1 $0x1;
	p0 =	seq.s32 s7, s2  }
0x1e: {  	s7 =	smul.u32 @!p0 $0xF7A, s2;
	p2 =	seq.s32 @!p0 s5, $0x0  }
0x1f: {  	s9 =	smul.u32 $0xF7A, s1;
	s8 =	simm.s32 @!p0 $0x1BF5;
	p2 =	por !p2, p0  }
0x20: {  	[sflag:s8] =	ssyncset.s32 @!p0 $0xFFFFF086;
	s6 =	sadd.s32 @!p0 s3, s7;
	s7 =	simm.s32 @!p0 $0x108  }
0x21: {  	s3 =	sadd.s32 s3, s9;
	s6 =	sadd.s32 @!p0 $0x88, s6;
	s7 =	simm.s32 @p2 $0x1082  }
0x22: {  	[simem:s7], [sflag:s8] =	dma.local @!p0 [hbm:s6], $0xF7A  }
0x23: {  	s9 =	sor.u32 $0xD0000000, s2;
	s6 =	simm.s32 $0x108;
	_ =	swait.ge @!p0 [sflag:s8], $0x0  }
0x24: {  	s3 =	sadd.s32 $0x88, s3;
	s6 =	simm.s32 @!p1 $0x1082;
	[sflag:s4] =	ssyncset.s32 $0xFFFFF086  }
0x25: {  	[simem:s6], [sflag:s4] =	dma.local [hbm:s3], $0xF7A  }
0x26: {  	[smem:$0x3F9E] =	sst s1;
	(tag) =	ssettag s2;
	_ =	strace s9  }
0x27: {  	s1 =	sld [smem:$0x3FAE]  }
0x28: {  	s2 =	sld [smem:$0x3FAF]  }
0x29: {  	s4 =	sld [smem:$0x3FB1]  }
0x2a: {  	p0 =	seq.s32 s5, $0x0;
	s5 =	sld [smem:$0x3FB2]  }
0x2b: {  	s6 =	sld [smem:$0x3FB3]  }
0x2c: {  	s7 =	sld [smem:$0x3FB4]  }
0x2d: {  	s3 =	simm.s32 $0x108;
	s8 =	sld [smem:$0x3FB5]  }
0x2e: {  	s3 =	simm.s32 @!p0 $0x1082;
	s9 =	sld [smem:$0x3FB6]  }
0x2f: {  	lr =	sadd.s32 s0, s3;
	s0 =	sld [smem:$0x3FAD]  }
0x30: {  	s3 =	sld [smem:$0x3FB0]  }
0x31: {  	[smem:$0x3FB9] =	sst s10  }
0x32: {  	s10 =	sld [smem:$0x3FB7];
	_ =	sdelay $0x3  }
0x33: {  	p0 =	seq.s32 s10, $0x1;
	s10 =	sld [smem:$0x3FB9];
	_ =	sdelay $0x3  }
0x34: {  	[smem:$0x3FB9] =	sst s10  }
0x35: {  	s10 =	sld [smem:$0x3FB8];
	_ =	sdelay $0x3  }
0x36: {  	p1 =	seq.s32 s10, $0x1;
	s10 =	sld [smem:$0x3FB9];
	_ =	sdelay $0x3  }
0x37: {  	[smem:$0x3FB9] =	sst s10  }
0x38: {  	s10 =	sld [smem:$0x3FBA]  }
0x39: {  	_ = 	snop;
	(pc) =	sbr.ind lr, $3  }
0x3a: {  	_ = 	snop  }
0x3b: {  	_ = 	snop  }
0x3c: {  	p2 =	seq.s32 s10, $0x1;
	s10 =	sld [smem:$0x3FB9]  }
0x3d: {  	_ =	shalt  }
0x3e: {  	_ =	shalt  }
0x3f: {  	_ =	shalt  }
0x40: {  	_ =	shalt  }
0x41: {  	_ =	shalt  }
0x42: {  	_ =	shalt  }
0x43: {  	_ =	shalt  }
0x44: {  	_ =	shalt  }
0x45: {  	_ =	shalt  }
0x46: {  	_ =	shalt  }
0x47: {  	_ =	shalt  }
0x48: {  	_ =	shalt  }
0x49: {  	_ =	shalt  }
0x4a: {  	_ =	shalt  }
0x4b: {  	_ =	shalt  }
0x4c: {  	_ =	shalt  }
0x4d: {  	_ =	shalt  }
0x4e: {  	_ =	shalt  }
0x4f: {  	_ =	shalt  }
0x50: {  	_ =	shalt  }
0x51: {  	_ =	shalt  }
0x52: {  	_ =	shalt  }
0x53: {  	_ =	shalt  }
0x54: {  	_ =	shalt  }
0x55: {  	_ =	shalt  }
0x56: {  	_ =	shalt  }
0x57: {  	_ =	shalt  }
0x58: {  	_ =	shalt  }
0x59: {  	_ =	shalt  }
0x5a: {  	_ =	shalt  }
0x5b: {  	_ =	shalt  }
0x5c: {  	_ =	shalt  }
0x5d: {  	_ =	shalt  }
0x5e: {  	_ =	shalt  }
0x5f: {  	_ =	shalt  }
0x60: {  	_ =	shalt  }
0x61: {  	_ =	shalt  }
0x62: {  	_ =	shalt  }
0x63: {  	_ =	shalt  }
0x64: {  	_ =	shalt  }
0x65: {  	_ =	shalt  }
0x66: {  	_ =	shalt  }
0x67: {  	_ =	shalt  }
0x68: {  	_ =	shalt  }
0x69: {  	_ =	shalt  }
0x6a: {  	_ =	shalt  }
0x6b: {  	_ =	shalt  }
0x6c: {  	_ =	shalt  }
0x6d: {  	_ =	shalt  }
0x6e: {  	_ =	shalt  }
0x6f: {  	_ =	shalt  }
0x70: {  	_ =	shalt  }
0x71: {  	_ =	shalt  }
0x72: {  	_ =	shalt  }
0x73: {  	_ =	shalt  }
0x74: {  	_ =	shalt  }
0x75: {  	_ =	shalt  }
0x76: {  	_ =	shalt  }
0x77: {  	_ =	shalt  }
0x78: {  	_ =	shalt  }
0x79: {  	_ =	shalt  }
0x7a: {  	_ =	shalt  }
0x7b: {  	_ =	shalt  }
0x7c: {  	_ =	shalt  }
0x7d: {  	_ =	shalt  }
0x7e: {  	_ =	shalt  }
0x7f: {  	_ =	shalt  }
0x80: {  	_ =	shalt  }
0x81: {  	_ =	shalt  }
0x82: {  	_ =	shalt  }
0x83: {  	_ =	shalt  }
0x84: {  	_ =	shalt  }
0x85: {  	_ =	shalt  }
0x86: {  	_ =	shalt  }
0x87: {  	_ =	shalt  }
.Lfunc_end0:
.L_simem_size_0:
called_computation.1_lowered:
.L_overlay_start_0:
0x88: {  	s2 =	sld [smem:$0x3FD9]  }
0x89: {  	s3 =	sld [smem:$0x3FFE];
	_ =	sdelay $0x1  }
0x8a: {  	s1 =	srdreg.scid  }
0x8b: {  	s0 =	sand.u32 $0x1, s1  }
0x8c: {  	s17 =	sshll.u32 s0, $0xA;
	s2 =	sadd.s32 s3, s2  }
0x8d: {  	s2 =	sadd.s32 s2, s17  }
0x8e: {  	[smem:$0x3FC5] =	sst s2  }
0x8f: {  	_ = 	snop  }
0x90: {  	(tm) =	ssettm $0x1  }
0x91: {  	s18 =	sld [smem:$0x3FFB];
	_ =	sdelay $0x3  }
0x92: {  	_ =	strace s18  }
0x93: {  	s2 =	sld [smem:$0x3FFC];
	_ =	sdelay $0x3  }
0x94: {  	_ =	strace s2  }
0x95: {  	s2 =	sld [smem:$0x3FFD];
	_ =	sdelay $0x3  }
0x96: {  	_ =	strace s2  }
0x97: {  	_ =	strace $0x8FFFFFFF  }
0x98: {  	s19 =	sld [smem:$0x3FDB];
	_ =	sdelay $0x1  }
0x99: {  	s20 =	simm.s32 $_scs_section_size  }
0x9a: {  	s4 =	simm.s32 $_size__tile_overlayer_lowered;
	s5 =	simm.s32 $_tile_overlayer_lowered  }
0x9b: {  	s6 =	simm.s32 $0x1BFF;
	s21 =	sshll.u32 s5, $0x1;
	s3 =	sadd.s32 s20, s19  }
0x9c: {  	s22 =	simm.s32 $0x0;
	s4 =	sshll.u32 s4, $0x1;
	s5 =	sadd.s32 s21, s3  }
0x9d: {  	[timem:s22], [sflag:s6] =	dma.local [hbm:s5], s4  }
0x9e: {  	_ =	swait.ge [sflag:s6], s4  }
0x9f: {  	s4 =	ssub.s32 $0x0, s4;
	[sflag:s6] =	ssyncset.done $0x0  }
0xa0: {  	[sflag:s6] =	ssyncadd.s32 s4;
	_ =	sdelay $0x1  }
0xa1: {  	s23 =	simm.s32 $0x1B8B  }
0xa2: {  	_ =	swait.ge [sflag:s23], $0x1  }
0xa3: {  	[sflag:s23] =	ssyncset.done $0x0  }
0xa4: {  	[sflag:s23] =	ssyncadd.s32 $0xFFFFFFFF  }
0xa5: {  	s4 =	sld [smem:$0x0]  }
0xa6: {  	s5 =	sand.u32 $0xFFFFFFFE, s1  }
0xa7: {  	p0 =	sne.s32 s1, s5  }
0xa8: {  	s5 =	sshll.u32 @p0 s5, $0xE  }
0xa9: {  	s5 =	sadd.s32 @p0 $0x11B8D, s5;
	s6 =	sshll.u32 @p0 s4, $0x11  }
0xaa: {  	s5 =	sor.u32 @p0 s6, s5  }
0xab: {  	[sflag:s5] =	ssyncadd.remote.s32 @p0 $0x1;
	_ =	sdelay $0x1  }
0xac: {  	s5 =	simm.s32 @p0 $0x1B8D  }
0xad: {  	_ =	swait.eq @p0 [sflag:s5], $0x1  }
0xae: {  	[sflag:s5] =	ssyncadd.s32 @p0 $0xFFFFFFFF  }
0xaf: {  	s6 =	sshll.u32 @!p0 s1, $0xE  }
0xb0: {  	s6 =	sor.u32 @!p0 $0x4000, s6;
	s5 =	simm.s32 @!p0 $0x1B8D  }
0xb1: {  	s4 =	sshll.u32 @!p0 s4, $0x11;
	s6 =	sadd.s32 @!p0 $0x11B8D, s6;
	_ =	swait.eq @!p0 [sflag:s5], $0x1  }
0xb2: {  	s4 =	sor.u32 @!p0 s4, s6;
	[sflag:s5] =	ssyncadd.s32 @!p0 $0xFFFFFFFF  }
0xb3: {  	s25 =	simm.s32 $0x1B8E;
	s24 =	sld [smem:$0x3FFE];
	[sflag:s4] =	ssyncadd.remote.s32 @!p0 $0x1  }
0xb4: {  	s26 =	simm.s32 $execute0_lowered;
	[smem:$0x3FD2] =	sst s25  }
0xb5: {  	s5 =	sshll.u32 s26, $0x1;
	_ =	strace $0x8000004C;
	[dreg:$0x1] =	wrdreg $0xFFFFFFFF  }
0xb6: {  	s28 =	simm.s32 $_size_execute0_lowered;
	s3 =	sadd.s32 s3, s5;
	[dreg:$0x0] =	wrdreg $0x0  }
0xb7: {  	s5 =	sshll.u32 s28, $0x1;
	[dreg:$0x2] =	wrdreg s3  }
0xb8: {  	[dreg:$0x3] =	wrdreg s5  }
0xb9: {  	[dreg:$0x4] =	wrdreg $0xC0  }
0xba: {  	_ =	task [dreg:s22], $0x5FFFF  }
0xbb: {  	[dreg:$0x1] =	wrdreg $0xFFFFFFFF  }
0xbc: {  	[dreg:$0x0] =	wrdreg $0x60  }
0xbd: {  	[dreg:$0x2] =	wrdreg s24  }
0xbe: {  	[dreg:$0x3] =	wrdreg $0x9  }
0xbf: {  	_ =	task.clear_ibuf [dreg:s22], $0x4FFFF;
	_ =	strace $0x9000004C  }
0xc0: {  	s29 =	simm.s32 $0x9;
	_ =	strace $0x8000004E  }
0xc1: {  	_ =	swait.ge [sflag:s29], $0x1  }
0xc2: {  	[sflag:s29] =	ssyncadd.s32 $0xFFFFFFFF  }
0xc3: {  	_ =	strace $0x9000004E  }
0xc4: {  	_ =	sfence  }
0xc5: {  	s30 =	sld [smem:$0x0];
	_ =	sdelay $0x2  }
0xc6: {  	s31 =	sshll.u32 s1, $0xD;
	s1 =	sshrl.u32 s1, $0x2  }
0xc7: {  	s4 =	sand.u32 $0x4000, s31;
	s1 =	sadd.s32 s1, s30  }
0xc8: {  	s0 =	sor.u32 s4, s0;
	s1 =	sshll.u32 s1, $0x11  }
0xc9: {  	s0 =	sor.u32 s1, s0  }
0xca: {  	s0 =	sadd.s32 $0x8F2B, s0  }
0xcb: {  	[sflag:s0] =	ssyncadd.remote.s32 $0x1  }
0xcc: {  	_ =	sfence.sel $0xFFFF  }
0xcd: {  	[dreg:$0x0] =	wrdreg $0xFFFFFFFF;
	(pc) =	sbr.abs _section_cstart, $3  }
0xce: {  	[dreg:$0x1] =	wrdreg $0xFFFFFFFF  }
0xcf: {  	_ =	task.clear_ibuf [dreg:s22], $0x2FFFF;
	_ =	strace $0x9FFFFFFF  }
0xd0: {  	(tm) =	ssettm $0x7FFFFFFF  }
0xd1: {  	_ =	shalt  }
tec
execute0_lowered:
.L_overlay_start_1:
0x0: {  	(tag) =	ssettag $0x1  }
0x1: {  	s0 =	srdreg.scid  }
0x2: {  	s1 =	sshll.u32 s0, $0x4  }
0x3: {  	s0 =	stileid.u32;
	s1 =	sand.u32 $0x10, s1  }
0x4: {  	s2 =	sor.u32 s0, s1  }
0x5: {  	s1 =	smin.u32 s2, $0x12  }
0x6: {  	s1 =	sadd.s32 s2, s1  }
0x7: {  	p0 =	slt.u32 s2, $0x12;
	s2 =	simm.s32 $0x320;
	s1 =	smul.u32 $0x190, s1  }
0x8: {  	s2 =	simm.s32 @!p0 $0x190  }
0x9: {  	s2 =	sadd.s32 s2, s1  }
0xa: {  	s3 =	smin.u32 s2, $0x4E20  }
0xb: {  	s7 =	ssub.s32 s3, s1  }
0xc: {  	p0 =	sgt.s32 s7, $0x0  }
0xd: {  	s7 =	simm.s32 @!p0 $0x0  }
0xe: {  	s31 =	sand.u32 $0xFFF0, s7  }
0xf: {  	s2 =	sshrl.u32 s31, $0x4  }
0x10: {  	s2 =	smul.u32 $0xA3E, s2  }
0x11: {  	s9 =	rddreg [dreg:$0x0];
	s6 =	simm.s32 $0x1;
	s11 =	simm.s32 $0x3  }
0x12: {  	s13 =	simm.s32 $0x0;
	s12 =	simm.s32 $0x0;
	s8 =	sshrl.u32 s2, $0x10  }
0x13: {  	s4 =	sadd.s32 $0xA00, s9;
	s5 =	sadd.s32 $0x4F800, s9;
	s10 =	smul.u32 $0x190, s8  }
.Ltmp0:
0x14: {  	s9 =	sadd.s32 $0x50200, s9;
	s2 =	rddreg [dreg:$0x1];
	(pc) =	sbr.rel .LBB2_1-.Ltmp0, $4  }
0x15: {  	_ =	strace $0x8000004D;
	p0 =	sne.s32 s7, s10;
	s10 =	simm.s32 $0x1  }
0x16: {  	[sflag:s6] =	ssyncpa.u1 $0x0;
	s7 =	simm.s32 $0x2;
	s10 =	simm.s32 @!p0 $0x0  }
0x17: {  	[sflag:s7] =	ssyncpa.u1 $0x0;
	p0 =	por $0x0, $0x0;
	s8 =	sadd.s32 s8, s10  }
0x18: {  	vm0 =	vmmov $0xff;
	vm1 =	vcmask $0x3F20;
	[sflag:s11] =	ssyncpa.u1 $0x0;
	s11 =	smov.u32 s1;
	s10 =	sadd.s32 $0x1, s8  }
.LBB2_6:
0x19: {  	[hbm:s17] =	stream.linear.scatter [tilespmem:s14], [sflag:$0x3], $0x400, $0x38;
	[tilespmem:$0x19320] =	vst v63  }
.LBB2_7:
0x1a: {  	s13 =	sadd.s32 $0x190, s11  }
0x1b: {  	s15 =	smov.u32 s1;
	p2 =	slt.s32 s13, s3  }
0x1c: {  	s15 =	smov.u32 @p2 s13;
	p2 =	sne.s32 s12, s10  }
.Ltmp1:
0x1d: {  	p1 =	slt.u32 s12, $0x2;
	(pc) =	sbr.rel @!p2 .LBB2_8-.Ltmp1, $4  }
0x1e: {  	s14 =	simm.s32 @!p1 $0x3  }
0x1f: {  	s16 =	sadd.s32 $0x1, s12;
	_ =	swait.ge @!p1 [sflag:s14], $0xC800  }
0x20: {  	p0 =	por !p0, !p0;
	s13 =	smov.u32 s11;
	[sflag:s14] =	ssyncset.done @!p1 $0x0  }
0x21: {  	s12 =	smov.u32 s16;
	s11 =	smov.u32 s15;
	[sflag:s14] =	ssyncadd.s32 @!p1 $0xFFFF3800  }
.LBB2_1:
0x22: {  	p1 =	sge.u32 s12, s8  }
0x23: {  	s14 =	sxor.u32 @!p1 $0xFFFFFFFF, s12  }
0x24: {  	s14 =	sand.u32 @!p1 $0x1, s14  }
0x25: {  	s14 =	smul.u32 @!p1 $0x640, s14  }
0x26: {  	s31 =	sadd.s32 $0xFFFFFFFF, s12;
	s15 =	sshrl.u32 @!p1 s11, $0x3  }
0x27: {  	s16 =	sand.u32 @!p1 $0x7, s11;
	s15 =	sadd.s32 @!p1 s5, s15;
	s14 =	sshrl.u32 @!p1 s14, $0x2  }
0x28: {  	[tilespmem:s14], [sflag:$0x2] =	stream.linear.gather @!p1 [hbm4b:s15+s16], $0x190, $0x38;
	[tilespmem:$0x19320] =	vst v63  }
0x29: {  	p1 =	sge.u32 s31, s8  }
.Ltmp2:
0x2a: {  	_ = 	snop;
	(pc) =	sbr.rel @p1 .LBB2_7-.Ltmp2, $1  }
0x2b: {  	_ =	sdelay $0x3  }
0x2c: {  	s14 =	simm.s32 $0x1  }
0x2d: {  	s14 =	simm.s32 @!p0 $0x0  }
0x2e: {  	s15 =	smul.u32 $0x640, s14  }
0x2f: {  	_ =	swait.ge [sflag:s7], $0x190  }
0x30: {  	[sflag:s7] =	ssyncset.done $0x0;
	s16 =	sshrl.u32 s15, $0x2  }
0x31: {  	[sflag:s7] =	ssyncadd.s32 $0xFFFFFE70;
	s15 =	sadd.s32 $0x0, s16  }
0x32: {  	v0 =	vld.msk [tilespmem:s15+$0x0 ss:$0x1], $0xffff;
	_ =	sdelay $0x4  }
0x33: {  	vm2 =	vgt.s32 v0, $0x0  }
0x34: {  	v0 =	vnsel vm2, $0x0, v0  }
0x35: {  	v0 =	vmin.u32 v0, $0x4E1F  }
0x36: {  	v0 =	vshll.u32 v0, $0x4  }
0x37: {  	s14 =	smul.u32 $0x32000, s14;
	_ =	sdelay $0x1  }
0x38: {  	s14 =	sshrl.u32 s14, $0x2  }
0x39: {  	s14 =	sor.u32 $0x320, s14  }
0x3a: {  	[tilespmem:s14], [sflag:$0x1] =	stream.indirect_vreg.gather [hbm:s4], $0x80, v0, vm0, $0x38;
	[tilespmem:$0x19320] =	vst v63  }
0x3b: {  	s17 =	sadd.s32 $0x10, s16;
	s15 =	sadd.s32 $0x400, s14  }
0x3c: {  	[tilespmem:s15], [sflag:$0x1] =	stream.indirect_vreg.gather [hbm:s4], $0x80, v0, vm1, $0x38;
	[tilespmem:$0x19320] =	vst v63  }
0x3d: {  	s18 =	simm.s32 $0x80;
	v0 =	vld.msk [tilespmem:s17+$0x0 ss:$0x1], $0xffff;
	s17 =	smov.u32 s14  }
.LBB2_3:
0x3e: {  	p1 =	sne.s32 s18, $0x600;
	_ =	sdelay $0x4  }
0x3f: {  	vm2 =	vgt.s32 v0, $0x0  }
0x40: {  	v0 =	vnsel vm2, $0x0, v0  }
0x41: {  	v0 =	vmin.u32 v0, $0x4E1F  }
0x42: {  	v0 =	vshll.u32 v0, $0x4;
	_ =	sdelay $0x3  }
.Ltmp3:
0x43: {  	s19 =	sshra.s32 s18, $0x2;
	s17 =	sadd.s32 $0x800, s17;
	(pc) =	sbr.rel @p1 .LBB2_3-.Ltmp3, $4  }
0x44: {  	[tilespmem:s17], [sflag:$0x1] =	stream.indirect_vreg.gather [hbm:s4], $0x80, v0, vm0, $0x38;
	[tilespmem:$0x19320] =	vst v63  }
0x45: {  	s19 =	sadd.s32 s19, s16;
	s20 =	sadd.s32 $0x400, s17  }
0x46: {  	[tilespmem:s20], [sflag:$0x1] =	stream.indirect_vreg.gather [hbm:s4], $0x80, v0, vm1, $0x38;
	[tilespmem:$0x19320] =	vst v63  }
0x47: {  	s18 =	sadd.s32 $0x40, s18;
	v0 =	vld.msk [tilespmem:s19+$0x0 ss:$0x1], $0xffff  }
0x48: {  	_ =	sdelay $0x3  }
0x49: {  	vm2 =	vgt.s32 v0, $0x0  }
0x4a: {  	v0 =	vnsel vm2, $0x0, v0  }
0x4b: {  	v0 =	vmin.u32 v0, $0x4E1F  }
0x4c: {  	v0 =	vshll.u32 v0, $0x4;
	_ =	sdelay $0x3  }
0x4d: {  	s16 =	sadd.s32 $0x800, s17  }
0x4e: {  	[tilespmem:s16], [sflag:$0x1] =	stream.indirect_vreg.gather [hbm:s4], $0x80, v0, vm0, $0x38;
	[tilespmem:$0x19320] =	vst v63  }
0x4f: {  	s16 =	sadd.s32 $0x400, s16  }
0x50: {  	[tilespmem:s16], [sflag:$0x1] =	stream.indirect_vreg.gather [hbm:s4], $0x80, v0, vm1, $0x38;
	[tilespmem:$0x19320] =	vst v63  }
0x51: {  	s13 =	sshll.u32 s13, $0x4;
	_ =	swait.ge [sflag:s6], $0xC800  }
0x52: {  	s13 =	sadd.s32 s13, s9;
	[sflag:s6] =	ssyncset.done $0x0  }
0x53: {  	s17 =	sadd.s32 $0x0, s13;
	s16 =	simm.s32 $0x80;
	[sflag:s6] =	ssyncadd.s32 $0xFFFF3800  }
.LBB2_5:
0x54: {  	[hbm:s17] =	stream.linear.scatter [tilespmem:s14], [sflag:$0x3], $0x400, $0x38;
	[tilespmem:$0x19320] =	vst v63  }
0x55: {  	s17 =	smov.u32 s16;
	s14 =	smov.u32 s15;
	p1 =	sne.s32 s16, $0x1880  }
.Ltmp4:
0x56: {  	s16 =	sadd.s32 $0x80, s16;
	(pc) =	sbr.rel @p1 .LBB2_5-.Ltmp4, $2  }
0x57: {  	_ =	sdelay $0x2  }
0x58: {  	s15 =	sadd.s32 $0x400, s15;
	s17 =	sadd.s32 s17, s13  }
.Ltmp5:
0x59: {  	_ = 	snop;
	(pc) =	sbr.rel .LBB2_6-.Ltmp5, $1  }
0x5a: {  	_ =	sdelay $0x3  }
.LBB2_8:
0x5b: {  	_ =	sfence.sel $0x180000  }
0x5c: {  	s1 =	simm.s32 $0x2;
	[bflag:$0x0] =	sbarrier.arrive $0xFFFF  }
0x5d: {  	s30 =	simm.s32 $0x3;
	[sflag:s1] =	ssyncpa.u1 $0x1  }
0x5e: {  	s31 =	simm.s32 $0x1;
	[sflag:s30] =	ssyncpa.u1 $0x1  }
0x5f: {  	[sflag:s31] =	ssyncpa.u1 $0x1  }
0x60: {  	p0 =	sne.s32 s0, $0x0;
	_ =	strace $0x9000004D  }
0x61: {  	s0 =	sadd.s32 @!p0 $0x100000, s2;
	[bflag:$0x2] =	sbarrier.arrive $0xFFFF  }
0x62: {  	[sflag:s0] =	ssyncadd.tile.s32 @!p0 $0x1;
	_ =	shalt  }
.Lfunc_end2:
_tile_overlayer_lowered:
.L_overlay_start_2:
0x63: {  	(tag) =	ssettag $0x2  }
0x64: {  	s0 =	rddreg [dreg:$0x0];
	s2 =	stileid.u32  }
0x65: {  	s1 =	rddreg [dreg:$0x1];
	p0 =	sne.s32 s2, $0x0  }
0x66: {  	s3 =	rddreg [dreg:$0x2];
	[bflag:$0x3] =	sbarrier.arrive $0xFFFF;
	s2 =	simm.s32 @!p0 $0x1C01  }
0x67: {  	[timem:s3], [sflag:s2] =	dma.local @!p0 [hbm:s0], s1  }
0x68: {  	s0 =	simm.s32 @!p0 $0x1  }
0x69: {  	_ =	swait.ge @!p0 [sflag:s0], s1  }
0x6a: {  	s1 =	ssub.s32 @!p0 $0x0, s1;
	[sflag:s0] =	ssyncset.done @!p0 $0x0  }
0x6b: {  	[sflag:s0] =	ssyncadd.s32 @!p0 s1  }
0x6c: {  	[bflag:$0x3] =	sbarrier.arrive $0xFFFF  }
0x6d: {  	_ =	shalt  }

// kernel: scatter_offload_async_start
scs
__scs_entry_jumppad:
0x0: {  	(pc) =	sbr.rel $0x88, $3  }
0x1: {  	(tag) =	ssettag $0x0;
	lr =	simm.s32 $0x1  }
0x2: {  	[smem:$0x3F9E] =	sst lr;
	_ =	strace $0xD0000000  }
0x3: {  	_ = 	snop  }
0x4: {  	_ = 	snop  }
0x5: {  	_ = 	snop  }
0x6: {  	_ = 	snop  }
0x7: {  	_ = 	snop  }
__scs_overlays_trampoline_lowered:
0x8: {  	[smem:$0x3FAD] =	sst s0  }
0x9: {  	[smem:$0x3FAE] =	sst s1  }
0xa: {  	[smem:$0x3FAF] =	sst s2  }
0xb: {  	[smem:$0x3FB0] =	sst s3  }
0xc: {  	[smem:$0x3FB1] =	sst s4  }
0xd: {  	[smem:$0x3FB2] =	sst s5  }
0xe: {  	[smem:$0x3FB3] =	sst s6  }
0xf: {  	[smem:$0x3FB4] =	sst s7  }
0x10: {  	[smem:$0x3FB5] =	sst s8  }
0x11: {  	[smem:$0x3FB6] =	sst s9;
	s0 =	simm.s32 @!p0 $0x0  }
0x12: {  	s1 =	sld [smem:$0x3F9C];
	s0 =	simm.s32 @p0 $0x1  }
0x13: {  	[smem:$0x3FB7] =	sst s0;
	s0 =	simm.s32 @!p1 $0x0  }
0x14: {  	s2 =	sld [smem:$0x3F9B];
	s0 =	simm.s32 @p1 $0x1  }
0x15: {  	[smem:$0x3FB8] =	sst s0;
	s0 =	simm.s32 @!p2 $0x0  }
0x16: {  	s3 =	sld [smem:$0x3FDB];
	s0 =	simm.s32 @p2 $0x1  }
0x17: {  	s4 =	simm.s32 $0x1BF5;
	[smem:$0x3FBA] =	sst s0  }
0x18: {  	s0 =	sld [smem:$0x3F9D];
	_ =	swait.ge [sflag:s4], $0x0  }
0x19: {  	s7 =	sld [smem:$0x3F9E]  }
0x1a: {  	s8 =	sadd.s32 $0xFFFFE003, lr  }
0x1b: {  	s9 =	sadd.s32 $0xFFFFFEF7, lr;
	s5 =	simm.s32 $0xFFFFFFFF;
	p2 =	slt.u32 s8, $0xFFFFF086  }
0x1c: {  	p1 =	slt.u32 s9, $0xF7A;
	s5 =	simm.s32 @!p2 $0x0  }
0x1d: {  	s5 =	simm.s32 @p1 $0x1;
	p0 =	seq.s32 s7, s2  }
0x1e: {  	s7 =	smul.u32 @!p0 $0xF7A, s2;
	p2 =	seq.s32 @!p0 s5, $0x0  }
0x1f: {  	s9 =	smul.u32 $0xF7A, s1;
	s8 =	simm.s32 @!p0 $0x1BF5;
	p2 =	por !p2, p0  }
0x20: {  	[sflag:s8] =	ssyncset.s32 @!p0 $0xFFFFF086;
	s6 =	sadd.s32 @!p0 s3, s7;
	s7 =	simm.s32 @!p0 $0x108  }
0x21: {  	s3 =	sadd.s32 s3, s9;
	s6 =	sadd.s32 @!p0 $0x88, s6;
	s7 =	simm.s32 @p2 $0x1082  }
0x22: {  	[simem:s7], [sflag:s8] =	dma.local @!p0 [hbm:s6], $0xF7A  }
0x23: {  	s9 =	sor.u32 $0xD0000000, s2;
	s6 =	simm.s32 $0x108;
	_ =	swait.ge @!p0 [sflag:s8], $0x0  }
0x24: {  	s3 =	sadd.s32 $0x88, s3;
	s6 =	simm.s32 @!p1 $0x1082;
	[sflag:s4] =	ssyncset.s32 $0xFFFFF086  }
0x25: {  	[simem:s6], [sflag:s4] =	dma.local [hbm:s3], $0xF7A  }
0x26: {  	[smem:$0x3F9E] =	sst s1;
	(tag) =	ssettag s2;
	_ =	strace s9  }
0x27: {  	s1 =	sld [smem:$0x3FAE]  }
0x28: {  	s2 =	sld [smem:$0x3FAF]  }
0x29: {  	s4 =	sld [smem:$0x3FB1]  }
0x2a: {  	p0 =	seq.s32 s5, $0x0;
	s5 =	sld [smem:$0x3FB2]  }
0x2b: {  	s6 =	sld [smem:$0x3FB3]  }
0x2c: {  	s7 =	sld [smem:$0x3FB4]  }
0x2d: {  	s3 =	simm.s32 $0x108;
	s8 =	sld [smem:$0x3FB5]  }
0x2e: {  	s3 =	simm.s32 @!p0 $0x1082;
	s9 =	sld [smem:$0x3FB6]  }
0x2f: {  	lr =	sadd.s32 s0, s3;
	s0 =	sld [smem:$0x3FAD]  }
0x30: {  	s3 =	sld [smem:$0x3FB0]  }
0x31: {  	[smem:$0x3FB9] =	sst s10  }
0x32: {  	s10 =	sld [smem:$0x3FB7];
	_ =	sdelay $0x3  }
0x33: {  	p0 =	seq.s32 s10, $0x1;
	s10 =	sld [smem:$0x3FB9];
	_ =	sdelay $0x3  }
0x34: {  	[smem:$0x3FB9] =	sst s10  }
0x35: {  	s10 =	sld [smem:$0x3FB8];
	_ =	sdelay $0x3  }
0x36: {  	p1 =	seq.s32 s10, $0x1;
	s10 =	sld [smem:$0x3FB9];
	_ =	sdelay $0x3  }
0x37: {  	[smem:$0x3FB9] =	sst s10  }
0x38: {  	s10 =	sld [smem:$0x3FBA]  }
0x39: {  	_ = 	snop;
	(pc) =	sbr.ind lr, $3  }
0x3a: {  	_ = 	snop  }
0x3b: {  	_ = 	snop  }
0x3c: {  	p2 =	seq.s32 s10, $0x1;
	s10 =	sld [smem:$0x3FB9]  }
0x3d: {  	_ =	shalt  }
0x3e: {  	_ =	shalt  }
0x3f: {  	_ =	shalt  }
0x40: {  	_ =	shalt  }
0x41: {  	_ =	shalt  }
0x42: {  	_ =	shalt  }
0x43: {  	_ =	shalt  }
0x44: {  	_ =	shalt  }
0x45: {  	_ =	shalt  }
0x46: {  	_ =	shalt  }
0x47: {  	_ =	shalt  }
0x48: {  	_ =	shalt  }
0x49: {  	_ =	shalt  }
0x4a: {  	_ =	shalt  }
0x4b: {  	_ =	shalt  }
0x4c: {  	_ =	shalt  }
0x4d: {  	_ =	shalt  }
0x4e: {  	_ =	shalt  }
0x4f: {  	_ =	shalt  }
0x50: {  	_ =	shalt  }
0x51: {  	_ =	shalt  }
0x52: {  	_ =	shalt  }
0x53: {  	_ =	shalt  }
0x54: {  	_ =	shalt  }
0x55: {  	_ =	shalt  }
0x56: {  	_ =	shalt  }
0x57: {  	_ =	shalt  }
0x58: {  	_ =	shalt  }
0x59: {  	_ =	shalt  }
0x5a: {  	_ =	shalt  }
0x5b: {  	_ =	shalt  }
0x5c: {  	_ =	shalt  }
0x5d: {  	_ =	shalt  }
0x5e: {  	_ =	shalt  }
0x5f: {  	_ =	shalt  }
0x60: {  	_ =	shalt  }
0x61: {  	_ =	shalt  }
0x62: {  	_ =	shalt  }
0x63: {  	_ =	shalt  }
0x64: {  	_ =	shalt  }
0x65: {  	_ =	shalt  }
0x66: {  	_ =	shalt  }
0x67: {  	_ =	shalt  }
0x68: {  	_ =	shalt  }
0x69: {  	_ =	shalt  }
0x6a: {  	_ =	shalt  }
0x6b: {  	_ =	shalt  }
0x6c: {  	_ =	shalt  }
0x6d: {  	_ =	shalt  }
0x6e: {  	_ =	shalt  }
0x6f: {  	_ =	shalt  }
0x70: {  	_ =	shalt  }
0x71: {  	_ =	shalt  }
0x72: {  	_ =	shalt  }
0x73: {  	_ =	shalt  }
0x74: {  	_ =	shalt  }
0x75: {  	_ =	shalt  }
0x76: {  	_ =	shalt  }
0x77: {  	_ =	shalt  }
0x78: {  	_ =	shalt  }
0x79: {  	_ =	shalt  }
0x7a: {  	_ =	shalt  }
0x7b: {  	_ =	shalt  }
0x7c: {  	_ =	shalt  }
0x7d: {  	_ =	shalt  }
0x7e: {  	_ =	shalt  }
0x7f: {  	_ =	shalt  }
0x80: {  	_ =	shalt  }
0x81: {  	_ =	shalt  }
0x82: {  	_ =	shalt  }
0x83: {  	_ =	shalt  }
0x84: {  	_ =	shalt  }
0x85: {  	_ =	shalt  }
0x86: {  	_ =	shalt  }
0x87: {  	_ =	shalt  }
.Lfunc_end0:
.L_simem_size_0:
called_computation_lowered:
.L_overlay_start_0:
0x88: {  	s0 =	sld [smem:$0x3FD9]  }
0x89: {  	s1 =	sld [smem:$0x3FFE];
	_ =	sdelay $0x3  }
0x8a: {  	s0 =	sadd.s32 s1, s0  }
0x8b: {  	[smem:$0x3FC5] =	sst s0  }
0x8c: {  	_ = 	snop  }
0x8d: {  	(tm) =	ssettm $0x1  }
0x8e: {  	s15 =	sld [smem:$0x3FFB];
	_ =	sdelay $0x3  }
0x8f: {  	_ =	strace s15  }
0x90: {  	s0 =	sld [smem:$0x3FFC];
	_ =	sdelay $0x3  }
0x91: {  	_ =	strace s0  }
0x92: {  	s0 =	sld [smem:$0x3FFD];
	_ =	sdelay $0x3  }
0x93: {  	_ =	strace s0  }
0x94: {  	_ =	strace $0x8FFFFFFF  }
0x95: {  	s16 =	sld [smem:$0x3FDB];
	_ =	sdelay $0x1  }
0x96: {  	s17 =	simm.s32 $_scs_section_size  }
0x97: {  	s2 =	simm.s32 $_size__tile_overlayer_lowered;
	s3 =	simm.s32 $_tile_overlayer_lowered  }
0x98: {  	s20 =	simm.s32 $0x1BFF;
	s19 =	sshll.u32 s3, $0x1;
	s0 =	sadd.s32 s17, s16  }
0x99: {  	s4 =	simm.s32 $0x0;
	s18 =	sshll.u32 s2, $0x1;
	s2 =	sadd.s32 s19, s0  }
0x9a: {  	[timem:s4], [sflag:s20] =	dma.local [hbm:s2], s18  }
0x9b: {  	_ =	swait.ge [sflag:s20], s18  }
0x9c: {  	s1 =	ssub.s32 $0x0, s18;
	[sflag:s20] =	ssyncset.done $0x0  }
0x9d: {  	[sflag:s20] =	ssyncadd.s32 s1;
	_ =	sdelay $0x1  }
0x9e: {  	s21 =	simm.s32 $0x1B8B  }
0x9f: {  	_ =	swait.ge [sflag:s21], $0x1  }
0xa0: {  	[sflag:s21] =	ssyncset.done $0x0  }
0xa1: {  	s23 =	simm.s32 $0x1B8E;
	s22 =	sld [smem:$0x3FFE];
	[sflag:s21] =	ssyncadd.s32 $0xFFFFFFFF  }
0xa2: {  	s24 =	simm.s32 $execute0_lowered;
	[smem:$0x3FD2] =	sst s23  }
0xa3: {  	s2 =	sshll.u32 s24, $0x1;
	_ =	strace $0x80000046;
	[dreg:$0x1] =	wrdreg $0xFFFFFFFF  }
0xa4: {  	s25 =	simm.s32 $_size_execute0_lowered;
	s0 =	sadd.s32 s0, s2;
	[dreg:$0x0] =	wrdreg $0x0  }
0xa5: {  	s2 =	sshll.u32 s25, $0x1;
	[dreg:$0x2] =	wrdreg s0  }
0xa6: {  	[dreg:$0x3] =	wrdreg s2  }
0xa7: {  	[dreg:$0x4] =	wrdreg $0xC0  }
0xa8: {  	_ =	task [dreg:s4], $0x5FFFF  }
0xa9: {  	[dreg:$0x1] =	wrdreg $0xFFFFFFFF  }
0xaa: {  	[dreg:$0x0] =	wrdreg $0x60  }
0xab: {  	[dreg:$0x2] =	wrdreg s22  }
0xac: {  	[dreg:$0x3] =	wrdreg $0x9  }
0xad: {  	_ =	task.clear_ibuf [dreg:s4], $0x4FFFF;
	_ =	strace $0x90000046  }
0xae: {  	s26 =	simm.s32 $0x9;
	_ =	strace $0x80000048  }
0xaf: {  	_ =	swait.ge [sflag:s26], $0x1  }
0xb0: {  	[sflag:s26] =	ssyncadd.s32 $0xFFFFFFFF  }
0xb1: {  	_ =	strace $0x90000048  }
0xb2: {  	_ =	sfence  }
0xb3: {  	s28 =	sld [smem:$0x0];
	_ =	sdelay $0x1  }
0xb4: {  	s29 =	srdreg.scid  }
0xb5: {  	s30 =	sshll.u32 s29, $0xD;
	s31 =	sshrl.u32 s29, $0x2  }
0xb6: {  	s1 =	sand.u32 $0x1, s29;
	s2 =	sand.u32 $0x4000, s30;
	s0 =	sadd.s32 s31, s28  }
0xb7: {  	s1 =	sor.u32 s2, s1;
	s0 =	sshll.u32 s0, $0x11  }
0xb8: {  	s0 =	sor.u32 s0, s1  }
0xb9: {  	s0 =	sadd.s32 $0x8F2B, s0  }
0xba: {  	[sflag:s0] =	ssyncadd.remote.s32 $0x1  }
0xbb: {  	_ =	sfence.sel $0xFFFF  }
0xbc: {  	[dreg:$0x0] =	wrdreg $0xFFFFFFFF;
	(pc) =	sbr.abs _section_cstart, $3  }
0xbd: {  	[dreg:$0x1] =	wrdreg $0xFFFFFFFF  }
0xbe: {  	_ =	task.clear_ibuf [dreg:s4], $0x2FFFF;
	_ =	strace $0x9FFFFFFF  }
0xbf: {  	(tm) =	ssettm $0x7FFFFFFF  }
tec
execute0_lowered:
.L_overlay_start_1:
0x0: {  	(tag) =	ssettag $0x1  }
0x1: {  	s2 =	rddreg [dreg:$0x0]  }
0x2: {  	s0 =	rddreg [dreg:$0x1]  }
0x3: {  	_ =	strace $0x80000047;
	s4 =	stileid.u32;
	s5 =	simm.s32 $0x3E  }
0x4: {  	s1 =	sadd.s32 $0x4EC00, s2;
	p0 =	sne.s32 s4, $0x0;
	[sflag:s5] =	ssyncpa.u1 $0x0  }
0x5: {  	s30 =	smin.u32 s4, $0x9;
	s3 =	simm.s32 @!p0 $0x1C3E;
	s6 =	simm.s32 @!p0 $0x0  }
0x6: {  	[spmem:s6], [sflag:s3] =	dma.local @!p0 [hbm:s1], $0x10  }
0x7: {  	s3 =	sadd.s32 s4, s30  }
0x8: {  	p1 =	slt.u32 s4, $0x9;
	s4 =	simm.s32 $0x640;
	s3 =	smul.u32 $0x320, s3  }
0x9: {  	s4 =	simm.s32 @!p1 $0x320  }
0xa: {  	s4 =	sadd.s32 s4, s3  }
0xb: {  	s4 =	smin.u32 s4, $0x4E20  }
0xc: {  	s7 =	ssub.s32 s4, s3  }
0xd: {  	p1 =	sgt.s32 s7, $0x0  }
0xe: {  	s7 =	simm.s32 @!p1 $0x0  }
0xf: {  	s8 =	sand.u32 $0xFFE0, s7  }
0x10: {  	s8 =	sshrl.u32 s8, $0x5  }
0x11: {  	s6 =	simm.s32 @!p0 $0x3E;
	s31 =	smul.u32 $0xA3E, s8  }
0x12: {  	_ =	swait.ge @!p0 [sflag:s6], $0x10  }
0x13: {  	[sflag:s6] =	ssyncset.done @!p0 $0x0;
	s8 =	sshrl.u32 s31, $0x10  }
0x14: {  	s11 =	simm.s32 $0x0;
	[sflag:s6] =	ssyncadd.s32 @!p0 $0xFFFFFFF0;
	s9 =	smul.u32 $0x320, s8  }
.Ltmp0:
0x15: {  	s6 =	simm.s32 $0x2;
	[bflag:$0x0] =	sbarrier.arrive $0xFFFF;
	(pc) =	sbr.rel .LBB2_1-.Ltmp0, $4  }
0x16: {  	s10 =	smov.u32 s3;
	[sflag:s5] =	ssyncpa.u1 $0x1;
	s5 =	simm.s32 $0x1  }
0x17: {  	[sflag:s5] =	ssyncpa.u1 $0x0;
	p1 =	sne.s32 s7, s9;
	s9 =	simm.s32 $0x1  }
0x18: {  	(ifvalue) =	ssetifvalue $0x80;
	[sflag:s6] =	ssyncpa.u1 $0x0;
	s9 =	simm.s32 @!p1 $0x0  }
0x19: {  	vm0 =	vmmov $0xffff;
	s7 =	sadd.s32 $0x4EE00, s2;
	s8 =	sadd.s32 s8, s9;
	s9 =	simm.s32 $0x0  }
.LBB2_5:
0x1a: {  	p2 =	sne.s32 s11, s8  }
.Ltmp1:
0x1b: {  	_ = 	snop;
	(pc) =	sbr.rel @!p2 .LBB2_6-.Ltmp1, $4  }
0x1c: {  	_ = 	snop  }
0x1d: {  	s12 =	sadd.s32 $0x320, s10  }
0x1e: {  	s10 =	smov.u32 s3;
	s13 =	sadd.s32 $0x1, s11;
	p1 =	slt.s32 s12, s4  }
0x1f: {  	s11 =	smov.u32 s13;
	s10 =	smov.u32 @p1 s12  }
.LBB2_1:
0x20: {  	p1 =	sge.u32 s11, s8  }
0x21: {  	s12 =	sxor.u32 @!p1 $0xFFFFFFFF, s11  }
0x22: {  	s12 =	sand.u32 @!p1 $0x1, s12  }
0x23: {  	s12 =	smul.u32 @!p1 $0x320, s12  }
0x24: {  	s13 =	sshrl.u32 @!p1 s10, $0x3  }
0x25: {  	s16 =	sand.u32 @!p1 $0x7, s10;
	s14 =	sadd.s32 @!p1 s2, s13;
	s15 =	sor.u32 @!p1 $0x8, s12  }
0x26: {  	[tilespmem:s15], [sflag:$0x2] =	stream.linear.gather @!p1 [hbm4b:s14+s16], $0x320, $0x38;
	[tilespmem:$0xC88] =	vst v63  }
0x27: {  	s13 =	sadd.s32 @!p1 s7, s13;
	s12 =	sadd.s32 @!p1 $0x648, s12  }
0x28: {  	[tilespmem:s12], [sflag:$0x2] =	stream.linear.gather @!p1 [hbm4b:s13+s16], $0x320, $0x38;
	[tilespmem:$0xC88] =	vst v63  }
0x29: {  	p1 =	seq.s32 s11, $0x0  }
.Ltmp2:
0x2a: {  	_ = 	snop;
	(pc) =	sbr.rel @p1 .LBB2_5-.Ltmp2, $1  }
0x2b: {  	_ =	sdelay $0x3  }
0x2c: {  	s12 =	sand.u32 $0x1, s11  }
0x2d: {  	_ =	swait.ge [sflag:s6], $0x640;
	p1 =	seq.s32 s12, $0x1;
	s12 =	simm.s32 $0x320  }
0x2e: {  	[sflag:s6] =	ssyncset.done $0x0;
	s12 =	simm.s32 @!p1 $0x0  }
0x2f: {  	[sflag:s6] =	ssyncadd.s32 $0xFFFFF9C0;
	s14 =	sor.u32 $0x8, s12  }
0x30: {  	v0 =	vld.msk [tilespmem:s14+$0x0 ss:$0x1], $0xffff;
	_ =	sdelay $0x4  }
0x31: {  	v0 =	vmin.u32 v0, $0x80;
	_ =	sdelay $0x3  }
0x32: {  	s13 =	simm.s32 $0x0;
	s12 =	sadd.s32 $0x648, s12;
	s14 =	sadd.s32 $0x10, s14  }
0x33: {  	[spmem:s9] =	stream.indirect_vreg.scatter.add.s32 [tilespmem:s12], [sflag:$0x1], $0x1, v0, vm0, $0x4038;
	[tilespmem:$0xC88] =	vst v63  }
.LBB2_3:
0x34: {  	v0 =	vld.msk [tilespmem:s14+$0x0 ss:$0x1], $0xffff;
	s13 =	sadd.s32 $0x10, s13  }
0x35: {  	p1 =	slt.u32 s13, $0x310;
	_ =	sdelay $0x4  }
0x36: {  	v0 =	vmin.u32 v0, $0x80  }
.Ltmp3:
0x37: {  	(pc) =	sbr.rel @p1 .LBB2_3-.Ltmp3, $3  }
0x38: {  	_ =	sdelay $0x1  }
0x39: {  	s14 =	sadd.s32 $0x10, s14;
	s12 =	sadd.s32 $0x10, s12  }
0x3a: {  	[spmem:s9] =	stream.indirect_vreg.scatter.add.s32 [tilespmem:s12], [sflag:$0x1], $0x1, v0, vm0, $0x4038;
	[tilespmem:$0xC88] =	vst v63  }
.Ltmp4:
0x3b: {  	(pc) =	sbr.rel .LBB2_5-.Ltmp4, $4  }
0x3c: {  	_ = 	snop  }
0x3d: {  	_ =	swait.ge [sflag:s5], $0x320  }
0x3e: {  	[sflag:s5] =	ssyncset.done $0x0  }
0x3f: {  	[sflag:s5] =	ssyncadd.s32 $0xFFFFFCE0  }
.LBB2_6:
0x40: {  	_ =	sfence.sel $0x180000  }
0x41: {  	s2 =	simm.s32 $0x2;
	[bflag:$0x0] =	sbarrier.arrive $0xFFFF  }
0x42: {  	s30 =	simm.s32 $0x1;
	[sflag:s2] =	ssyncpa.u1 $0x1  }
0x43: {  	[sflag:s30] =	ssyncpa.u1 $0x1  }
0x44: {  	_ =	sfence.stream.spmem  }
0x45: {  	s31 =	simm.s32 $0x3D;
	[bflag:$0x0] =	sbarrier.arrive $0xFFFF  }
0x46: {  	s2 =	simm.s32 @p0 $0x3D;
	[sflag:s31] =	ssyncpa.u1 $0x0  }
0x47: {  	[sflag:s2] =	ssyncpa.u1 @p0 $0x1  }
0x48: {  	[bflag:$0x0] =	sbarrier.arrive @p0 $0xFFFF  }
0x49: {  	_ =	strace @p0 $0x90000047  }
0x4a: {  	s3 =	simm.s32 @!p0 $0x1C3D;
	s2 =	simm.s32 @!p0 $0x0;
	[bflag:$0x2] =	sbarrier.arrive @p0 $0xFFFF  }
0x4b: {  	[hbm:s1], [sflag:s3] =	dma.local @!p0 [spmem:s2], $0x10  }
0x4c: {  	s1 =	simm.s32 @!p0 $0x3D  }
0x4d: {  	_ =	swait.ge @!p0 [sflag:s1], $0x10  }
0x4e: {  	[sflag:s1] =	ssyncset.done @!p0 $0x0  }
0x4f: {  	[sflag:s1] =	ssyncadd.s32 @!p0 $0xFFFFFFF0  }
0x50: {  	[sflag:s1] =	ssyncpa.u1 @!p0 $0x1  }
0x51: {  	[bflag:$0x0] =	sbarrier.arrive @!p0 $0xFFFF  }
0x52: {  	_ =	strace @!p0 $0x90000047  }
0x53: {  	s0 =	sadd.s32 @!p0 $0x100000, s0;
	[bflag:$0x2] =	sbarrier.arrive @!p0 $0xFFFF  }
0x54: {  	[sflag:s0] =	ssyncadd.tile.s32 @!p0 $0x1;
	_ =	shalt  }
.Lfunc_end2:
_tile_overlayer_lowered:
.L_overlay_start_2:
0x55: {  	(tag) =	ssettag $0x2  }
0x56: {  	s0 =	rddreg [dreg:$0x0];
	s2 =	stileid.u32  }
0x57: {  	s1 =	rddreg [dreg:$0x1];
	p0 =	sne.s32 s2, $0x0  }
0x58: {  	s3 =	rddreg [dreg:$0x2];
	[bflag:$0x3] =	sbarrier.arrive $0xFFFF;
	s2 =	simm.s32 @!p0 $0x1C01  }
0x59: {  	[timem:s3], [sflag:s2] =	dma.local @!p0 [hbm:s0], s1  }
0x5a: {  	s0 =	simm.s32 @!p0 $0x1  }
0x5b: {  	_ =	swait.ge @!p0 [sflag:s0], s1  }
0x5c: {  	s1 =	ssub.s32 @!p0 $0x0, s1;
	[sflag:s0] =	ssyncset.done @!p0 $0x0  }
0x5d: {  	[sflag:s0] =	ssyncadd.s32 @!p0 s1  }
0x5e: {  	[bflag:$0x3] =	sbarrier.arrive $0xFFFF  }
0x5f: {  	_ =	shalt  }

</sc_bundles>
